<compile_context>
chip_gen: v7x
topology: tpu7x:2x2x1
jax: 0.10.2.dev20260603
libtpu: 0.0.44.dev20260713+nightly
codegen_flags: <defaults>
</compile_context>

<pallas_src>
import functools

import jax
import jax.numpy as jnp
from jax import lax
from jax.experimental import pallas as pl
from jax.experimental.pallas import tpu as pltpu
from jax.experimental.pallas import tpu_sc as plsc

CHUNK = 80
BLK = 25
NUM_CORES = 2
NUM_SUBCORES = 16
NUM_TILES = NUM_CORES * NUM_SUBCORES



ROWBLK = 2000


def _mm_body(x_ref, w_ref, o_ref):
  o_ref[...] = lax.dot_general(
      x_ref[...], w_ref[...], (((1,), (0,)), ((), ())),
      precision=lax.Precision.HIGHEST, preferred_element_type=jnp.float32)


def _matmul(x, w):
  n, din = x.shape
  dout = w.shape[1]
  return pl.pallas_call(
      _mm_body,
      grid=(n // ROWBLK,),
      in_specs=[
          pl.BlockSpec((ROWBLK, din), lambda i: (i, 0)),
          pl.BlockSpec((din, dout), lambda i: (0, 0)),
      ],
      out_specs=pl.BlockSpec((ROWBLK, dout), lambda i: (i, 0)),
      out_shape=jax.ShapeDtypeStruct((n, dout), jnp.float32),
  )(x, w)


def _scale_split_body(deg_ref, mm_ref, g_ref, dis_ref):
  dis = lax.rsqrt(deg_ref[0, 0, 0, :] + deg_ref[1, 0, 0, :])
  g = dis[:, None] * mm_ref[...]
  dh = g.shape[1] // 2
  g_ref[0] = g[:, :dh]
  g_ref[1] = g[:, dh:]
  dis_ref[0, 0] = dis


def _scale_split(deg, mm):
  n, d = mm.shape
  nb = n // ROWBLK
  deg4 = deg.reshape(2, nb, 1, ROWBLK)
  return pl.pallas_call(
      _scale_split_body,
      grid=(nb,),
      in_specs=[
          pl.BlockSpec((2, 1, 1, ROWBLK), lambda i: (0, i, 0, 0)),
          pl.BlockSpec((ROWBLK, d), lambda i: (i, 0)),
      ],
      out_specs=[
          pl.BlockSpec((2, ROWBLK, d // 2), lambda i: (0, i, 0)),
          pl.BlockSpec((1, 1, ROWBLK), lambda i: (i, 0, 0)),
      ],
      out_shape=[
          jax.ShapeDtypeStruct((2, n, d // 2), jnp.float32),
          jax.ShapeDtypeStruct((nb, 1, ROWBLK), jnp.float32),
      ],
  )(deg4, mm)


def _mid_body(acc_ref, dis_ref, b1_ref, w2_ref, g_ref):
  dis = dis_ref[0, 0, :]
  acc = jnp.concatenate([acc_ref[0], acc_ref[1]], axis=1)
  h = jnp.maximum(dis[:, None] * acc + b1_ref[...][None, :], 0.0)
  g2 = lax.dot_general(
      h, w2_ref[...], (((1,), (0,)), ((), ())),
      precision=lax.Precision.HIGHEST, preferred_element_type=jnp.float32)
  g_ref[...] = dis[:, None] * g2


def _mid_dense(acc1, dis3, b1, w2):
  _, n, dh = acc1.shape
  dout = w2.shape[1]
  return pl.pallas_call(
      _mid_body,
      grid=(n // ROWBLK,),
      in_specs=[
          pl.BlockSpec((2, ROWBLK, dh), lambda i: (0, i, 0)),
          pl.BlockSpec((1, 1, ROWBLK), lambda i: (i, 0, 0)),
          pl.BlockSpec((b1.shape[0],), lambda i: (0,)),
          pl.BlockSpec(w2.shape, lambda i: (0, 0)),
      ],
      out_specs=pl.BlockSpec((ROWBLK, dout), lambda i: (i, 0)),
      out_shape=jax.ShapeDtypeStruct((n, dout), jnp.float32),
  )(acc1, dis3, b1, w2)


def _final_body(acc_ref, dis_ref, b2_ref, o_ref):
  acc = acc_ref[0] + acc_ref[1]
  o_ref[...] = dis_ref[0, 0, :][:, None] * acc + b2_ref[...][None, :]


def _final(acc2, dis3, b2):
  _, n, dh = acc2.shape
  d = b2.shape[0]
  return pl.pallas_call(
      _final_body,
      grid=(n // ROWBLK,),
      in_specs=[
          pl.BlockSpec((2, ROWBLK, dh), lambda i: (0, i, 0)),
          pl.BlockSpec((1, 1, ROWBLK), lambda i: (i, 0, 0)),
          pl.BlockSpec((d,), lambda i: (0,)),
      ],
      out_specs=pl.BlockSpec((ROWBLK, d), lambda i: (i, 0)),
      out_shape=jax.ShapeDtypeStruct((n, d), jnp.float32),
  )(acc2, dis3, b2)



def _sc_mesh():
  return plsc.VectorSubcoreMesh(core_axis_name="c", subcore_axis_name="s")


def _edge_stream(gsrc, row_blk, col_blk, n_blocks, blk_sz,
                 acc_sp, row_t, col_t, msg_v, gsem, ssem):

  @pl.loop(0, n_blocks)
  def _(blk):
    pltpu.sync_copy(row_blk(blk), row_t)
    pltpu.sync_copy(col_blk(blk), col_t)
    pltpu.async_copy(gsrc.at[row_t.at[0]], msg_v.at[0], gsem.at[0])
    pltpu.async_copy(gsrc.at[row_t.at[1]], msg_v.at[1], gsem.at[1])

    @pl.loop(0, blk_sz)
    def _(i):
      b = lax.rem(i, 3)
      pltpu.make_async_copy(gsrc.at[row_t.at[i]], msg_v.at[b],
                            gsem.at[b]).wait()
      pltpu.async_copy(msg_v.at[b], acc_sp.at[col_t.at[i]], ssem.at[b],
                       add=True)

      @pl.when(i + 2 < blk_sz)
      def _():
        b2 = lax.rem(i + 2, 3)

        @pl.when(i > 0)
        def _():
          pltpu.make_async_copy(msg_v.at[b2], acc_sp.at[col_t.at[i]],
                                ssem.at[b2]).wait()

        pltpu.async_copy(gsrc.at[row_t.at[i + 2]], msg_v.at[b2],
                         gsem.at[b2])

    for j in (blk_sz - 3, blk_sz - 2, blk_sz - 1):
      pltpu.make_async_copy(msg_v.at[j % 3], acc_sp.at[col_t.at[j]],
                            ssem.at[j % 3]).wait()


def _hist(idx4, init_deg, ones_chunk):
  n = init_deg.shape[1]
  n_grp = idx4.shape[1]
  grp_per_tile = n_grp // NUM_TILES
  blk_sz = idx4.shape[2]
  per_tile = grp_per_tile * blk_sz
  W = 4

  @functools.partial(
      pl.kernel,
      out_type=jax.ShapeDtypeStruct((2, n), jnp.float32),
      mesh=_sc_mesh(),
      scratch_types=[
          pltpu.VMEM_SHARED((n,), jnp.float32),
          pltpu.VMEM((grp_per_tile, blk_sz, CHUNK), jnp.int32),
          pltpu.VMEM((CHUNK,), jnp.float32),
          pltpu.SemaphoreType.DMA((W,)),
      ],
  )
  def hist_kernel(idx_hbm, init_hbm, ones_hbm, deg_hbm,
                  deg_sp, col_t, ones_v, ssem):
    c = lax.axis_index("c")
    s = lax.axis_index("s")
    tid = c * NUM_SUBCORES + s
    pltpu.sync_copy(idx_hbm.at[1, pl.ds(tid * grp_per_tile, grp_per_tile)],
                    col_t)
    pltpu.sync_copy(ones_hbm, ones_v)

    @pl.when(s == 0)
    def _():
      pltpu.sync_copy(init_hbm.at[c], deg_sp)

    plsc.subcore_barrier()

    def col_at(i):
      return col_t.at[lax.div(i, blk_sz), lax.rem(i, blk_sz)]

    @pl.loop(0, per_tile)
    def _(i):
      @pl.when(i >= W)
      def _():
        pltpu.make_async_copy(ones_v, deg_sp.at[col_at(i)],
                              ssem.at[lax.rem(i, W)]).wait()

      pltpu.async_copy(ones_v, deg_sp.at[col_at(i)],
                       ssem.at[lax.rem(i, W)], add=True)

    @pl.loop(per_tile - W, per_tile)
    def _(i):
      pltpu.make_async_copy(ones_v, deg_sp.at[col_at(i)],
                            ssem.at[lax.rem(i, W)]).wait()

    plsc.subcore_barrier()

    @pl.when(s == 0)
    def _():
      pltpu.sync_copy(deg_sp, deg_hbm.at[c])

  return hist_kernel(idx4, init_deg, ones_chunk)


def _aggregate(g, idx4):
  _, n, dh = g.shape
  n_blocks = idx4.shape[1] // NUM_SUBCORES
  blk_sz = idx4.shape[2]
  rows_lo = (n // NUM_SUBCORES) // 8 * 8
  rows_hi = n - rows_lo * (NUM_SUBCORES - 1)

  @functools.partial(
      pl.kernel,
      out_type=jax.ShapeDtypeStruct((2, n, dh), jnp.float32),
      mesh=_sc_mesh(),
      scratch_types=[
          pltpu.VMEM_SHARED((n, dh), jnp.float32),
          pltpu.VMEM((blk_sz, CHUNK), jnp.int32),
          pltpu.VMEM((blk_sz, CHUNK), jnp.int32),
          pltpu.VMEM((3, CHUNK, dh), jnp.float32),
          pltpu.SemaphoreType.DMA((3,)),
          pltpu.SemaphoreType.DMA((3,)),
      ],
  )
  def agg_kernel(g_hbm, idx_hbm, out_hbm,
                 acc_sp, row_t, col_t, msg_v, gsem, ssem):
    c = lax.axis_index("c")
    s = lax.axis_index("s")
    rbase = pl.multiple_of(s * rows_lo, 8)

    @pl.when(s < NUM_SUBCORES - 1)
    def _():
      pltpu.sync_copy(g_hbm.at[c, pl.ds(rbase, rows_lo), :],
                      acc_sp.at[pl.ds(rbase, rows_lo), :])

    @pl.when(s == NUM_SUBCORES - 1)
    def _():
      pltpu.sync_copy(g_hbm.at[c, pl.ds(rbase, rows_hi), :],
                      acc_sp.at[pl.ds(rbase, rows_hi), :])

    plsc.subcore_barrier()

    _edge_stream(g_hbm.at[c], lambda blk: idx_hbm.at[0, s * n_blocks + blk],
                 lambda blk: idx_hbm.at[1, s * n_blocks + blk],
                 n_blocks, blk_sz,
                 acc_sp, row_t, col_t, msg_v, gsem, ssem)

    plsc.subcore_barrier()

    @pl.when(s < NUM_SUBCORES - 1)
    def _():
      pltpu.sync_copy(acc_sp.at[pl.ds(rbase, rows_lo), :],
                      out_hbm.at[c, pl.ds(rbase, rows_lo), :])

    @pl.when(s == NUM_SUBCORES - 1)
    def _():
      pltpu.sync_copy(acc_sp.at[pl.ds(rbase, rows_hi), :],
                      out_hbm.at[c, pl.ds(rbase, rows_hi), :])

  return agg_kernel(g, idx4)


def _aggregate_edge_split(g, zeros_init, idx4):
  n, dh = g.shape
  n_blocks = idx4.shape[1] // NUM_TILES
  blk_sz = idx4.shape[2]
  rows_lo = (n // NUM_SUBCORES) // 8 * 8
  rows_hi = n - rows_lo * (NUM_SUBCORES - 1)

  @functools.partial(
      pl.kernel,
      out_type=jax.ShapeDtypeStruct((2, n, dh), jnp.float32),
      mesh=_sc_mesh(),
      scratch_types=[
          pltpu.VMEM_SHARED((n, dh), jnp.float32),
          pltpu.VMEM((blk_sz, CHUNK), jnp.int32),
          pltpu.VMEM((blk_sz, CHUNK), jnp.int32),
          pltpu.VMEM((3, CHUNK, dh), jnp.float32),
          pltpu.SemaphoreType.DMA((3,)),
          pltpu.SemaphoreType.DMA((3,)),
      ],
  )
  def agg_kernel(g_hbm, z_hbm, idx_hbm, out_hbm,
                 acc_sp, row_t, col_t, msg_v, gsem, ssem):
    c = lax.axis_index("c")
    s = lax.axis_index("s")
    rbase = pl.multiple_of(s * rows_lo, 8)

    def init_rows(nrows):
      @pl.when(c == 0)
      def _():
        pltpu.sync_copy(g_hbm.at[pl.ds(rbase, nrows), :],
                        acc_sp.at[pl.ds(rbase, nrows), :])

      @pl.when(c == 1)
      def _():
        pltpu.sync_copy(z_hbm.at[pl.ds(rbase, nrows), :],
                        acc_sp.at[pl.ds(rbase, nrows), :])

    @pl.when(s < NUM_SUBCORES - 1)
    def _():
      init_rows(rows_lo)

    @pl.when(s == NUM_SUBCORES - 1)
    def _():
      init_rows(rows_hi)

    plsc.subcore_barrier()

    gbase = (c * NUM_SUBCORES + s) * n_blocks
    _edge_stream(g_hbm, lambda blk: idx_hbm.at[0, gbase + blk],
                 lambda blk: idx_hbm.at[1, gbase + blk],
                 n_blocks, blk_sz,
                 acc_sp, row_t, col_t, msg_v, gsem, ssem)

    plsc.subcore_barrier()

    @pl.when(s < NUM_SUBCORES - 1)
    def _():
      pltpu.sync_copy(acc_sp.at[pl.ds(rbase, rows_lo), :],
                      out_hbm.at[c, pl.ds(rbase, rows_lo), :])

    @pl.when(s == NUM_SUBCORES - 1)
    def _():
      pltpu.sync_copy(acc_sp.at[pl.ds(rbase, rows_hi), :],
                      out_hbm.at[c, pl.ds(rbase, rows_hi), :])

  return agg_kernel(g, zeros_init, idx4)



def kernel(x, edge_index, conv1_weight, conv1_bias, conv2_weight, conv2_bias):
  n = x.shape[0]
  e = edge_index.shape[1]
  assert e % (NUM_TILES * BLK * CHUNK) == 0
  n_groups = e // (BLK * CHUNK)
  idx4 = edge_index.reshape(2, n_groups, BLK, CHUNK)
  init_deg = jnp.stack([jnp.ones((n,), jnp.float32),
                        jnp.zeros((n,), jnp.float32)])
  ones_chunk = jnp.ones((CHUNK,), jnp.float32)
  zeros_feat = jnp.zeros((n, conv2_weight.shape[1]), jnp.float32)

  mm1 = _matmul(x, conv1_weight)
  deg = _hist(idx4, init_deg, ones_chunk)
  g1, dis3 = _scale_split(deg, mm1)
  acc1 = _aggregate(g1, idx4)
  g2 = _mid_dense(acc1, dis3, conv1_bias, conv2_weight)
  acc2 = _aggregate_edge_split(g2, zeros_feat, idx4)
  return _final(acc2, dis3, conv2_bias)

# --- scband reference (transcript-rebuilt; emitter-appended) ---
"""Pipeline reference for scband-lamp-signature-encoder3-33861522161712 (READ-ONLY COPY).

The authoritative reference and input builder live on the scoring server;
editing this copy changes nothing except your own understanding.
"""

import jax, jax.numpy as jnp
import numpy as np
import math

N = 10000
E = 320000
D_IN = 128
D_OUT = 128


def _glorot(key, shape):
    stdv = math.sqrt(6.0 / (shape[-2] + shape[-1]))
    return jax.random.uniform(key, shape, minval=-stdv, maxval=stdv, dtype=jnp.float32)


def setup_inputs(seed: int = 0) -> dict:
    key = jax.random.key(seed)
    k0, k1, k2, k3 = jax.random.split(key, 4)
    x = jax.random.normal(k0, (N, D_IN), dtype=jnp.float32)
    edge_index = jax.random.randint(k1, (2, E), 0, N, dtype=jnp.int32)
    conv1_weight = _glorot(k2, (D_IN, 2 * D_OUT))
    conv1_bias = jnp.zeros((2 * D_OUT,), dtype=jnp.float32)
    conv2_weight = _glorot(k3, (2 * D_OUT, D_OUT))
    conv2_bias = jnp.zeros((D_OUT,), dtype=jnp.float32)
    return {
        "x": x,
        "edge_index": edge_index,
        "conv1_weight": conv1_weight,
        "conv1_bias": conv1_bias,
        "conv2_weight": conv2_weight,
        "conv2_bias": conv2_bias,
    }


def _gcn_conv(x, edge_index, weight, bias):
    # MetaGCNConv: standard GCN propagation with externally supplied weight/bias.
    n = x.shape[0]
    self_loops = jnp.arange(n, dtype=edge_index.dtype)
    row = jnp.concatenate([edge_index[0], self_loops])
    col = jnp.concatenate([edge_index[1], self_loops])
    h = x @ weight  # [N, out]
    ones = jnp.ones(row.shape[0], dtype=jnp.float32)
    deg = jax.ops.segment_sum(ones, col, num_segments=n)
    deg_inv_sqrt = jnp.where(deg > 0, jax.lax.rsqrt(jnp.maximum(deg, 1e-12)), 0.0)
    norm = deg_inv_sqrt[row] * deg_inv_sqrt[col]
    msgs = norm[:, None] * jnp.take(h, row, axis=0)  # gather source features
    out = jax.ops.segment_sum(msgs, col, num_segments=n)  # scatter-add to dst
    return out + bias


def reference(x, edge_index, conv1_weight, conv1_bias, conv2_weight, conv2_bias):
    h = jax.nn.relu(_gcn_conv(x, edge_index, conv1_weight, conv1_bias))
    out = _gcn_conv(h, edge_index, conv2_weight, conv2_bias)
    return out

if __name__ == "__main__":
    import jax
    _d = setup_inputs()
    print(jax.jit(kernel)(*tuple(_d.values())))

</pallas_src>

<mosaic_0001>
#map = affine_map<(d0, d1) -> (0, 0, 0)>
#map1 = affine_map<(d0, d1) -> (0, 0, 0, 0)>
module attributes {stable_mosaic.version = 14 : i64} {
  func.func @agg_kernel(%arg0: i32, %arg1: i32, %arg2: memref<2x10000x128xf32, #tpu.memory_space<hbm>>, %arg3: memref<2x160x25x80xi32, #tpu.memory_space<hbm>>, %arg4: memref<2x10000x128xf32, #tpu.memory_space<hbm>>, %arg5: memref<10000x128xf32, #tpu.memory_space<vmem_shared>>, %arg6: memref<25x80xi32, #tpu.memory_space<vmem>>, %arg7: memref<25x80xi32, #tpu.memory_space<vmem>>, %arg8: memref<3x80x128xf32, #tpu.memory_space<vmem>>, %arg9: memref<3x!tpu.dma_semaphore, #tpu.memory_space<semaphore_mem>>, %arg10: memref<3x!tpu.dma_semaphore, #tpu.memory_space<semaphore_mem>>) attributes {dimension_semantics = [#tpu.dimension_semantics<core_parallel>, #tpu.dimension_semantics<subcore_parallel>], iteration_bounds = array<i64: 2, 16>, scalar_prefetch = 0 : i64, scratch_operands = 6 : i64, tpu.core_type = #tpu.core_type<sc_vector_subcore>, window_params = [{transform_indices = #map}, {transform_indices = #map1}, {transform_indices = #map}]} {
    %mul3A = arith.constant 624 : i32
    %mul3A_0 = arith.muli %arg1, %mul3A : i32
    %multiple_of3A = tpu.assume_multiple %mul3A_0, 8 : i32
    %lt3A = arith.constant 15 : i32
    %lt3A_1 = arith.cmpi slt, %arg1, %lt3A : i32
    %convert_element_type3A = arith.extui %lt3A_1 : i1 to i32
    %cond3A = arith.constant 0 : i32
    %cond3A_2 = arith.cmpi ne, %convert_element_type3A, %cond3A : i32
    scf.if %cond3A_2 {
      "tpu.region"() ({
        %run_scoped3A = tpu.sem_alloc : memref<!tpu.dma_semaphore, #tpu.memory_space<semaphore_mem>>
        %dma_start3A = arith.constant 0 : i32
        %dma_start3A_22 = tpu.memref_slice %arg5[%multiple_of3A, %dma_start3A] : memref<10000x128xf32, #tpu.memory_space<vmem_shared>> -> memref<624x128xf32, #tpu.memory_space<vmem_shared>>
        %dma_start3A_23 = arith.constant 0 : i32
        %dma_start3A_24 = tpu.memref_slice %arg2[%arg0, %multiple_of3A, %dma_start3A_23] : memref<2x10000x128xf32, #tpu.memory_space<hbm>> -> memref<1x624x128xf32, #tpu.memory_space<hbm>>
        %dma_start3A_25 = tpu.memref_squeeze %dma_start3A_24 : memref<1x624x128xf32, #tpu.memory_space<hbm>> -> memref<624x128xf32, #tpu.memory_space<hbm>>
        tpu.enqueue_dma source(%dma_start3A_25 : memref<624x128xf32, #tpu.memory_space<hbm>>) target(%dma_start3A_22 : memref<624x128xf32, #tpu.memory_space<vmem_shared>>) target_semaphore(%run_scoped3A : memref<!tpu.dma_semaphore, #tpu.memory_space<semaphore_mem>>)
        %dma_wait3A = arith.constant 0 : i32
        %dma_wait3A_26 = tpu.memref_slice %arg5[%multiple_of3A, %dma_wait3A] : memref<10000x128xf32, #tpu.memory_space<vmem_shared>> -> memref<624x128xf32, #tpu.memory_space<vmem_shared>>
        %dma_wait3A_27 = arith.constant 0 : i32
        %dma_wait3A_28 = tpu.memref_slice %arg2[%arg0, %multiple_of3A, %dma_wait3A_27] : memref<2x10000x128xf32, #tpu.memory_space<hbm>> -> memref<1x624x128xf32, #tpu.memory_space<hbm>>
        %dma_wait3A_29 = tpu.memref_squeeze %dma_wait3A_28 : memref<1x624x128xf32, #tpu.memory_space<hbm>> -> memref<624x128xf32, #tpu.memory_space<hbm>>
        tpu.wait_dma2 semaphore(%run_scoped3A : memref<!tpu.dma_semaphore, #tpu.memory_space<semaphore_mem>>) src(%dma_wait3A_29 : memref<624x128xf32, #tpu.memory_space<hbm>>) dst(%dma_wait3A_26 : memref<624x128xf32, #tpu.memory_space<vmem_shared>>)
        tpu.yield
      }) : () -> ()
    } else {
    }
    %eq3A = arith.constant 15 : i32
    %eq3A_3 = arith.cmpi eq, %arg1, %eq3A : i32
    %convert_element_type3A_4 = arith.extui %eq3A_3 : i1 to i32
    %cond3A_5 = arith.constant 0 : i32
    %cond3A_6 = arith.cmpi ne, %convert_element_type3A_4, %cond3A_5 : i32
    scf.if %cond3A_6 {
      "tpu.region"() ({
        %run_scoped3A = tpu.sem_alloc : memref<!tpu.dma_semaphore, #tpu.memory_space<semaphore_mem>>
        %dma_start3A = arith.constant 0 : i32
        %dma_start3A_22 = tpu.memref_slice %arg5[%multiple_of3A, %dma_start3A] : memref<10000x128xf32, #tpu.memory_space<vmem_shared>> -> memref<640x128xf32, #tpu.memory_space<vmem_shared>>
        %dma_start3A_23 = arith.constant 0 : i32
        %dma_start3A_24 = tpu.memref_slice %arg2[%arg0, %multiple_of3A, %dma_start3A_23] : memref<2x10000x128xf32, #tpu.memory_space<hbm>> -> memref<1x640x128xf32, #tpu.memory_space<hbm>>
        %dma_start3A_25 = tpu.memref_squeeze %dma_start3A_24 : memref<1x640x128xf32, #tpu.memory_space<hbm>> -> memref<640x128xf32, #tpu.memory_space<hbm>>
        tpu.enqueue_dma source(%dma_start3A_25 : memref<640x128xf32, #tpu.memory_space<hbm>>) target(%dma_start3A_22 : memref<640x128xf32, #tpu.memory_space<vmem_shared>>) target_semaphore(%run_scoped3A : memref<!tpu.dma_semaphore, #tpu.memory_space<semaphore_mem>>)
        %dma_wait3A = arith.constant 0 : i32
        %dma_wait3A_26 = tpu.memref_slice %arg5[%multiple_of3A, %dma_wait3A] : memref<10000x128xf32, #tpu.memory_space<vmem_shared>> -> memref<640x128xf32, #tpu.memory_space<vmem_shared>>
        %dma_wait3A_27 = arith.constant 0 : i32
        %dma_wait3A_28 = tpu.memref_slice %arg2[%arg0, %multiple_of3A, %dma_wait3A_27] : memref<2x10000x128xf32, #tpu.memory_space<hbm>> -> memref<1x640x128xf32, #tpu.memory_space<hbm>>
        %dma_wait3A_29 = tpu.memref_squeeze %dma_wait3A_28 : memref<1x640x128xf32, #tpu.memory_space<hbm>> -> memref<640x128xf32, #tpu.memory_space<hbm>>
        tpu.wait_dma2 semaphore(%run_scoped3A : memref<!tpu.dma_semaphore, #tpu.memory_space<semaphore_mem>>) src(%dma_wait3A_29 : memref<640x128xf32, #tpu.memory_space<hbm>>) dst(%dma_wait3A_26 : memref<640x128xf32, #tpu.memory_space<vmem_shared>>)
        tpu.yield
      }) : () -> ()
    } else {
    }
    %barrier3A = arith.constant 0 : index
    tpu.barrier barrier_id(%barrier3A)
    %scan3A = arith.constant 0 : i32
    %scan3A_7 = arith.constant 10 : i32
    %scan3A_8 = arith.addi %scan3A, %scan3A_7 : i32
    %scan3A_9 = arith.constant 1 : i32
    scf.for %scan3A_22 = %scan3A to %scan3A_8 step %scan3A_9  : i32 {
      %mul3A_23 = arith.constant 1 : i32
      %mul3A_24 = arith.muli %scan3A_22, %mul3A_23 : i32
      %add3A = arith.constant 0 : i32
      %add3A_25 = arith.addi %add3A, %mul3A_24 : i32
      %mul3A_26 = arith.constant 10 : i32
      %mul3A_27 = arith.muli %arg1, %mul3A_26 : i32
      %add3A_28 = arith.addi %mul3A_27, %add3A_25 : i32
      %run_scoped3A = arith.constant 0 : i32
      "tpu.region"() ({
        %run_scoped3A_119 = tpu.sem_alloc : memref<!tpu.dma_semaphore, #tpu.memory_space<semaphore_mem>>
        %dma_start3A_120 = arith.constant 0 : i32
        %dma_start3A_121 = arith.constant 0 : i32
        %dma_start3A_122 = tpu.memref_slice %arg3[%run_scoped3A, %add3A_28, %dma_start3A_120, %dma_start3A_121] : memref<2x160x25x80xi32, #tpu.memory_space<hbm>> -> memref<1x1x25x80xi32, #tpu.memory_space<hbm>>
        %dma_start3A_123 = tpu.memref_squeeze %dma_start3A_122 : memref<1x1x25x80xi32, #tpu.memory_space<hbm>> -> memref<25x80xi32, #tpu.memory_space<hbm>>
        %dma_start3A_124 = arith.constant 0 : i32
        %dma_start3A_125 = arith.constant 0 : i32
        %dma_start3A_126 = tpu.memref_slice %arg3[%run_scoped3A, %add3A_28, %dma_start3A_124, %dma_start3A_125] : memref<2x160x25x80xi32, #tpu.memory_space<hbm>> -> memref<1x1x25x80xi32, #tpu.memory_space<hbm>>
        %dma_start3A_127 = tpu.memref_squeeze %dma_start3A_126 : memref<1x1x25x80xi32, #tpu.memory_space<hbm>> -> memref<25x80xi32, #tpu.memory_space<hbm>>
        tpu.enqueue_dma source(%dma_start3A_127 : memref<25x80xi32, #tpu.memory_space<hbm>>) target(%arg6 : memref<25x80xi32, #tpu.memory_space<vmem>>) target_semaphore(%run_scoped3A_119 : memref<!tpu.dma_semaphore, #tpu.memory_space<semaphore_mem>>)
        %dma_wait3A_128 = arith.constant 0 : i32
        %dma_wait3A_129 = arith.constant 0 : i32
        %dma_wait3A_130 = tpu.memref_slice %arg3[%run_scoped3A, %add3A_28, %dma_wait3A_128, %dma_wait3A_129] : memref<2x160x25x80xi32, #tpu.memory_space<hbm>> -> memref<1x1x25x80xi32, #tpu.memory_space<hbm>>
        %dma_wait3A_131 = tpu.memref_squeeze %dma_wait3A_130 : memref<1x1x25x80xi32, #tpu.memory_space<hbm>> -> memref<25x80xi32, #tpu.memory_space<hbm>>
        %dma_wait3A_132 = arith.constant 0 : i32
        %dma_wait3A_133 = arith.constant 0 : i32
        %dma_wait3A_134 = tpu.memref_slice %arg3[%run_scoped3A, %add3A_28, %dma_wait3A_132, %dma_wait3A_133] : memref<2x160x25x80xi32, #tpu.memory_space<hbm>> -> memref<1x1x25x80xi32, #tpu.memory_space<hbm>>
        %dma_wait3A_135 = tpu.memref_squeeze %dma_wait3A_134 : memref<1x1x25x80xi32, #tpu.memory_space<hbm>> -> memref<25x80xi32, #tpu.memory_space<hbm>>
        tpu.wait_dma2 semaphore(%run_scoped3A_119 : memref<!tpu.dma_semaphore, #tpu.memory_space<semaphore_mem>>) src(%dma_wait3A_135 : memref<25x80xi32, #tpu.memory_space<hbm>>) dst(%arg6 : memref<25x80xi32, #tpu.memory_space<vmem>>)
        tpu.yield
      }) : () -> ()
      %mul3A_29 = arith.constant 10 : i32
      %mul3A_30 = arith.muli %arg1, %mul3A_29 : i32
      %add3A_31 = arith.addi %mul3A_30, %add3A_25 : i32
      %run_scoped3A_32 = arith.constant 1 : i32
      "tpu.region"() ({
        %run_scoped3A_119 = tpu.sem_alloc : memref<!tpu.dma_semaphore, #tpu.memory_space<semaphore_mem>>
        %dma_start3A_120 = arith.constant 0 : i32
        %dma_start3A_121 = arith.constant 0 : i32
        %dma_start3A_122 = tpu.memref_slice %arg3[%run_scoped3A_32, %add3A_31, %dma_start3A_120, %dma_start3A_121] : memref<2x160x25x80xi32, #tpu.memory_space<hbm>> -> memref<1x1x25x80xi32, #tpu.memory_space<hbm>>
        %dma_start3A_123 = tpu.memref_squeeze %dma_start3A_122 : memref<1x1x25x80xi32, #tpu.memory_space<hbm>> -> memref<25x80xi32, #tpu.memory_space<hbm>>
        %dma_start3A_124 = arith.constant 0 : i32
        %dma_start3A_125 = arith.constant 0 : i32
        %dma_start3A_126 = tpu.memref_slice %arg3[%run_scoped3A_32, %add3A_31, %dma_start3A_124, %dma_start3A_125] : memref<2x160x25x80xi32, #tpu.memory_space<hbm>> -> memref<1x1x25x80xi32, #tpu.memory_space<hbm>>
        %dma_start3A_127 = tpu.memref_squeeze %dma_start3A_126 : memref<1x1x25x80xi32, #tpu.memory_space<hbm>> -> memref<25x80xi32, #tpu.memory_space<hbm>>
        tpu.enqueue_dma source(%dma_start3A_127 : memref<25x80xi32, #tpu.memory_space<hbm>>) target(%arg7 : memref<25x80xi32, #tpu.memory_space<vmem>>) target_semaphore(%run_scoped3A_119 : memref<!tpu.dma_semaphore, #tpu.memory_space<semaphore_mem>>)
        %dma_wait3A_128 = arith.constant 0 : i32
        %dma_wait3A_129 = arith.constant 0 : i32
        %dma_wait3A_130 = tpu.memref_slice %arg3[%run_scoped3A_32, %add3A_31, %dma_wait3A_128, %dma_wait3A_129] : memref<2x160x25x80xi32, #tpu.memory_space<hbm>> -> memref<1x1x25x80xi32, #tpu.memory_space<hbm>>
        %dma_wait3A_131 = tpu.memref_squeeze %dma_wait3A_130 : memref<1x1x25x80xi32, #tpu.memory_space<hbm>> -> memref<25x80xi32, #tpu.memory_space<hbm>>
        %dma_wait3A_132 = arith.constant 0 : i32
        %dma_wait3A_133 = arith.constant 0 : i32
        %dma_wait3A_134 = tpu.memref_slice %arg3[%run_scoped3A_32, %add3A_31, %dma_wait3A_132, %dma_wait3A_133] : memref<2x160x25x80xi32, #tpu.memory_space<hbm>> -> memref<1x1x25x80xi32, #tpu.memory_space<hbm>>
        %dma_wait3A_135 = tpu.memref_squeeze %dma_wait3A_134 : memref<1x1x25x80xi32, #tpu.memory_space<hbm>> -> memref<25x80xi32, #tpu.memory_space<hbm>>
        tpu.wait_dma2 semaphore(%run_scoped3A_119 : memref<!tpu.dma_semaphore, #tpu.memory_space<semaphore_mem>>) src(%dma_wait3A_135 : memref<25x80xi32, #tpu.memory_space<hbm>>) dst(%arg7 : memref<25x80xi32, #tpu.memory_space<vmem>>)
        tpu.yield
      }) : () -> ()
      %dma_start3A = arith.constant 0 : i32
      %dma_start3A_33 = arith.constant 0 : i32
      %dma_start3A_34 = arith.constant 0 : i32
      %dma_start3A_35 = arith.constant 0 : i32
      %dma_start3A_36 = arith.constant 0 : i32
      %dma_start3A_37 = tpu.memref_slice %arg8[%dma_start3A_33, %dma_start3A_35, %dma_start3A_36] : memref<3x80x128xf32, #tpu.memory_space<vmem>> -> memref<1x80x128xf32, #tpu.memory_space<vmem>>
      %dma_start3A_38 = tpu.memref_squeeze %dma_start3A_37 : memref<1x80x128xf32, #tpu.memory_space<vmem>> -> memref<80x128xf32, #tpu.memory_space<vmem>>
      %dma_start3A_39 = arith.constant 0 : i32
      %dma_start3A_40 = tpu.memref_slice %arg6[%dma_start3A, %dma_start3A_39] : memref<25x80xi32, #tpu.memory_space<vmem>> -> memref<1x80xi32, #tpu.memory_space<vmem>>
      %dma_start3A_41 = tpu.memref_squeeze %dma_start3A_40 : memref<1x80xi32, #tpu.memory_space<vmem>> -> memref<80xi32, #tpu.memory_space<vmem>>
      %dma_start3A_42 = arith.constant 0 : i32
      %dma_start3A_43 = arith.constant 0 : i32
      %dma_start3A_44 = tpu.memref_slice %arg2[%arg0, %dma_start3A_42, %dma_start3A_43] : memref<2x10000x128xf32, #tpu.memory_space<hbm>> -> memref<1x10000x128xf32, #tpu.memory_space<hbm>>
      %dma_start3A_45 = tpu.memref_squeeze %dma_start3A_44 : memref<1x10000x128xf32, #tpu.memory_space<hbm>> -> memref<10000x128xf32, #tpu.memory_space<hbm>>
      %dma_start3A_46 = arith.constant 0 : i32
      %dma_start3A_47 = arith.constant 0 : i32
      %dma_start3A_48 = tpu.memref_slice %dma_start3A_45[%dma_start3A_46, %dma_start3A_47] : memref<10000x128xf32, #tpu.memory_space<hbm>> -> memref<10000x128xf32, #tpu.memory_space<hbm>>
      %dma_start3A_49 = tpu.memref_slice %arg9[%dma_start3A_34] : memref<3x!tpu.dma_semaphore, #tpu.memory_space<semaphore_mem>> -> memref<1x!tpu.dma_semaphore, #tpu.memory_space<semaphore_mem>>
      %dma_start3A_50 = tpu.memref_squeeze %dma_start3A_49 : memref<1x!tpu.dma_semaphore, #tpu.memory_space<semaphore_mem>> -> memref<!tpu.dma_semaphore, #tpu.memory_space<semaphore_mem>>
      tpu.enqueue_indirect_dma source(%dma_start3A_48 : memref<10000x128xf32, #tpu.memory_space<hbm>>) target(%dma_start3A_38 : memref<80x128xf32, #tpu.memory_space<vmem>>) offsets(%dma_start3A_41 : memref<80xi32, #tpu.memory_space<vmem>>) semaphore(%dma_start3A_50 : memref<!tpu.dma_semaphore, #tpu.memory_space<semaphore_mem>>)
      %dma_start3A_51 = arith.constant 1 : i32
      %dma_start3A_52 = arith.constant 1 : i32
      %dma_start3A_53 = arith.constant 1 : i32
      %dma_start3A_54 = arith.constant 0 : i32
      %dma_start3A_55 = arith.constant 0 : i32
      %dma_start3A_56 = tpu.memref_slice %arg8[%dma_start3A_52, %dma_start3A_54, %dma_start3A_55] : memref<3x80x128xf32, #tpu.memory_space<vmem>> -> memref<1x80x128xf32, #tpu.memory_space<vmem>>
      %dma_start3A_57 = tpu.memref_squeeze %dma_start3A_56 : memref<1x80x128xf32, #tpu.memory_space<vmem>> -> memref<80x128xf32, #tpu.memory_space<vmem>>
      %dma_start3A_58 = arith.constant 0 : i32
      %dma_start3A_59 = tpu.memref_slice %arg6[%dma_start3A_51, %dma_start3A_58] : memref<25x80xi32, #tpu.memory_space<vmem>> -> memref<1x80xi32, #tpu.memory_space<vmem>>
      %dma_start3A_60 = tpu.memref_squeeze %dma_start3A_59 : memref<1x80xi32, #tpu.memory_space<vmem>> -> memref<80xi32, #tpu.memory_space<vmem>>
      %dma_start3A_61 = arith.constant 0 : i32
      %dma_start3A_62 = arith.constant 0 : i32
      %dma_start3A_63 = tpu.memref_slice %arg2[%arg0, %dma_start3A_61, %dma_start3A_62] : memref<2x10000x128xf32, #tpu.memory_space<hbm>> -> memref<1x10000x128xf32, #tpu.memory_space<hbm>>
      %dma_start3A_64 = tpu.memref_squeeze %dma_start3A_63 : memref<1x10000x128xf32, #tpu.memory_space<hbm>> -> memref<10000x128xf32, #tpu.memory_space<hbm>>
      %dma_start3A_65 = arith.constant 0 : i32
      %dma_start3A_66 = arith.constant 0 : i32
      %dma_start3A_67 = tpu.memref_slice %dma_start3A_64[%dma_start3A_65, %dma_start3A_66] : memref<10000x128xf32, #tpu.memory_space<hbm>> -> memref<10000x128xf32, #tpu.memory_space<hbm>>
      %dma_start3A_68 = tpu.memref_slice %arg9[%dma_start3A_53] : memref<3x!tpu.dma_semaphore, #tpu.memory_space<semaphore_mem>> -> memref<1x!tpu.dma_semaphore, #tpu.memory_space<semaphore_mem>>
      %dma_start3A_69 = tpu.memref_squeeze %dma_start3A_68 : memref<1x!tpu.dma_semaphore, #tpu.memory_space<semaphore_mem>> -> memref<!tpu.dma_semaphore, #tpu.memory_space<semaphore_mem>>
      tpu.enqueue_indirect_dma source(%dma_start3A_67 : memref<10000x128xf32, #tpu.memory_space<hbm>>) target(%dma_start3A_57 : memref<80x128xf32, #tpu.memory_space<vmem>>) offsets(%dma_start3A_60 : memref<80xi32, #tpu.memory_space<vmem>>) semaphore(%dma_start3A_69 : memref<!tpu.dma_semaphore, #tpu.memory_space<semaphore_mem>>)
      %scan3A_70 = arith.constant 0 : i32
      %scan3A_71 = arith.constant 25 : i32
      %scan3A_72 = arith.addi %scan3A_70, %scan3A_71 : i32
      %scan3A_73 = arith.constant 1 : i32
      scf.for %scan3A_119 = %scan3A_70 to %scan3A_72 step %scan3A_73  : i32 {
        %mul3A_120 = arith.constant 1 : i32
        %mul3A_121 = arith.muli %scan3A_119, %mul3A_120 : i32
        %add3A_122 = arith.constant 0 : i32
        %add3A_123 = arith.addi %add3A_122, %mul3A_121 : i32
        %rem3A = arith.constant 3 : i32
        %rem3A_124 = arith.remsi %add3A_123, %rem3A : i32
        %dma_wait3A_125 = arith.constant 0 : i32
        %dma_wait3A_126 = arith.constant 0 : i32
        %dma_wait3A_127 = tpu.memref_slice %arg8[%rem3A_124, %dma_wait3A_125, %dma_wait3A_126] : memref<3x80x128xf32, #tpu.memory_space<vmem>> -> memref<1x80x128xf32, #tpu.memory_space<vmem>>
        %dma_wait3A_128 = tpu.memref_squeeze %dma_wait3A_127 : memref<1x80x128xf32, #tpu.memory_space<vmem>> -> memref<80x128xf32, #tpu.memory_space<vmem>>
        %dma_wait3A_129 = arith.constant 0 : i32
        %dma_wait3A_130 = tpu.memref_slice %arg6[%add3A_123, %dma_wait3A_129] : memref<25x80xi32, #tpu.memory_space<vmem>> -> memref<1x80xi32, #tpu.memory_space<vmem>>
        %dma_wait3A_131 = tpu.memref_squeeze %dma_wait3A_130 : memref<1x80xi32, #tpu.memory_space<vmem>> -> memref<80xi32, #tpu.memory_space<vmem>>
        %dma_wait3A_132 = arith.constant 0 : i32
        %dma_wait3A_133 = arith.constant 0 : i32
        %dma_wait3A_134 = tpu.memref_slice %arg2[%arg0, %dma_wait3A_132, %dma_wait3A_133] : memref<2x10000x128xf32, #tpu.memory_space<hbm>> -> memref<1x10000x128xf32, #tpu.memory_space<hbm>>
        %dma_wait3A_135 = tpu.memref_squeeze %dma_wait3A_134 : memref<1x10000x128xf32, #tpu.memory_space<hbm>> -> memref<10000x128xf32, #tpu.memory_space<hbm>>
        %dma_wait3A_136 = arith.constant 0 : i32
        %dma_wait3A_137 = arith.constant 0 : i32
        %dma_wait3A_138 = tpu.memref_slice %dma_wait3A_135[%dma_wait3A_136, %dma_wait3A_137] : memref<10000x128xf32, #tpu.memory_space<hbm>> -> memref<10000x128xf32, #tpu.memory_space<hbm>>
        %dma_wait3A_139 = tpu.memref_slice %arg9[%rem3A_124] : memref<3x!tpu.dma_semaphore, #tpu.memory_space<semaphore_mem>> -> memref<1x!tpu.dma_semaphore, #tpu.memory_space<semaphore_mem>>
        %dma_wait3A_140 = tpu.memref_squeeze %dma_wait3A_139 : memref<1x!tpu.dma_semaphore, #tpu.memory_space<semaphore_mem>> -> memref<!tpu.dma_semaphore, #tpu.memory_space<semaphore_mem>>
        tpu.wait_indirect_dma semaphore(%dma_wait3A_140 : memref<!tpu.dma_semaphore, #tpu.memory_space<semaphore_mem>>) src(%dma_wait3A_138 : memref<10000x128xf32, #tpu.memory_space<hbm>>) dst(%dma_wait3A_128 : memref<80x128xf32, #tpu.memory_space<vmem>>)
        %dma_start3A_141 = arith.constant 0 : i32
        %dma_start3A_142 = arith.constant 0 : i32
        %dma_start3A_143 = tpu.memref_slice %arg8[%rem3A_124, %dma_start3A_141, %dma_start3A_142] : memref<3x80x128xf32, #tpu.memory_space<vmem>> -> memref<1x80x128xf32, #tpu.memory_space<vmem>>
        %dma_start3A_144 = tpu.memref_squeeze %dma_start3A_143 : memref<1x80x128xf32, #tpu.memory_space<vmem>> -> memref<80x128xf32, #tpu.memory_space<vmem>>
        %dma_start3A_145 = arith.constant 0 : i32
        %dma_start3A_146 = tpu.memref_slice %arg7[%add3A_123, %dma_start3A_145] : memref<25x80xi32, #tpu.memory_space<vmem>> -> memref<1x80xi32, #tpu.memory_space<vmem>>
        %dma_start3A_147 = tpu.memref_squeeze %dma_start3A_146 : memref<1x80xi32, #tpu.memory_space<vmem>> -> memref<80xi32, #tpu.memory_space<vmem>>
        %dma_start3A_148 = arith.constant 0 : i32
        %dma_start3A_149 = arith.constant 0 : i32
        %dma_start3A_150 = tpu.memref_slice %arg5[%dma_start3A_148, %dma_start3A_149] : memref<10000x128xf32, #tpu.memory_space<vmem_shared>> -> memref<10000x128xf32, #tpu.memory_space<vmem_shared>>
        %dma_start3A_151 = tpu.memref_slice %arg10[%rem3A_124] : memref<3x!tpu.dma_semaphore, #tpu.memory_space<semaphore_mem>> -> memref<1x!tpu.dma_semaphore, #tpu.memory_space<semaphore_mem>>
        %dma_start3A_152 = tpu.memref_squeeze %dma_start3A_151 : memref<1x!tpu.dma_semaphore, #tpu.memory_space<semaphore_mem>> -> memref<!tpu.dma_semaphore, #tpu.memory_space<semaphore_mem>>
        tpu.enqueue_indirect_dma source(%dma_start3A_144 : memref<80x128xf32, #tpu.memory_space<vmem>>) target(%dma_start3A_150 : memref<10000x128xf32, #tpu.memory_space<vmem_shared>>) offsets(%dma_start3A_147 : memref<80xi32, #tpu.memory_space<vmem>>) semaphore(%dma_start3A_152 : memref<!tpu.dma_semaphore, #tpu.memory_space<semaphore_mem>>) {add = true}
        %add3A_153 = arith.constant 2 : i32
        %add3A_154 = arith.addi %add3A_123, %add3A_153 : i32
        %lt3A_155 = arith.constant 25 : i32
        %lt3A_156 = arith.cmpi slt, %add3A_154, %lt3A_155 : i32
        %convert_element_type3A_157 = arith.extui %lt3A_156 : i1 to i32
        %cond3A_158 = arith.constant 0 : i32
        %cond3A_159 = arith.cmpi ne, %convert_element_type3A_157, %cond3A_158 : i32
        scf.if %cond3A_159 {
          %add3A_160 = arith.constant 2 : i32
          %add3A_161 = arith.addi %add3A_123, %add3A_160 : i32
          %rem3A_162 = arith.constant 3 : i32
          %rem3A_163 = arith.remsi %add3A_161, %rem3A_162 : i32
          %gt3A = arith.constant 0 : i32
          %gt3A_164 = arith.cmpi sgt, %add3A_123, %gt3A : i32
          %convert_element_type3A_165 = arith.extui %gt3A_164 : i1 to i32
          %cond3A_166 = arith.constant 0 : i32
          %cond3A_167 = arith.cmpi ne, %convert_element_type3A_165, %cond3A_166 : i32
          scf.if %cond3A_167 {
            %dma_wait3A_186 = arith.constant 0 : i32
            %dma_wait3A_187 = arith.constant 0 : i32
            %dma_wait3A_188 = tpu.memref_slice %arg8[%rem3A_163, %dma_wait3A_186, %dma_wait3A_187] : memref<3x80x128xf32, #tpu.memory_space<vmem>> -> memref<1x80x128xf32, #tpu.memory_space<vmem>>
            %dma_wait3A_189 = tpu.memref_squeeze %dma_wait3A_188 : memref<1x80x128xf32, #tpu.memory_space<vmem>> -> memref<80x128xf32, #tpu.memory_space<vmem>>
            %dma_wait3A_190 = arith.constant 0 : i32
            %dma_wait3A_191 = tpu.memref_slice %arg7[%add3A_123, %dma_wait3A_190] : memref<25x80xi32, #tpu.memory_space<vmem>> -> memref<1x80xi32, #tpu.memory_space<vmem>>
            %dma_wait3A_192 = tpu.memref_squeeze %dma_wait3A_191 : memref<1x80xi32, #tpu.memory_space<vmem>> -> memref<80xi32, #tpu.memory_space<vmem>>
            %dma_wait3A_193 = arith.constant 0 : i32
            %dma_wait3A_194 = arith.constant 0 : i32
            %dma_wait3A_195 = tpu.memref_slice %arg5[%dma_wait3A_193, %dma_wait3A_194] : memref<10000x128xf32, #tpu.memory_space<vmem_shared>> -> memref<10000x128xf32, #tpu.memory_space<vmem_shared>>
            %dma_wait3A_196 = tpu.memref_slice %arg10[%rem3A_163] : memref<3x!tpu.dma_semaphore, #tpu.memory_space<semaphore_mem>> -> memref<1x!tpu.dma_semaphore, #tpu.memory_space<semaphore_mem>>
            %dma_wait3A_197 = tpu.memref_squeeze %dma_wait3A_196 : memref<1x!tpu.dma_semaphore, #tpu.memory_space<semaphore_mem>> -> memref<!tpu.dma_semaphore, #tpu.memory_space<semaphore_mem>>
            tpu.wait_indirect_dma semaphore(%dma_wait3A_197 : memref<!tpu.dma_semaphore, #tpu.memory_space<semaphore_mem>>) src(%dma_wait3A_189 : memref<80x128xf32, #tpu.memory_space<vmem>>) dst(%dma_wait3A_195 : memref<10000x128xf32, #tpu.memory_space<vmem_shared>>)
          } else {
          }
          %add3A_168 = arith.constant 2 : i32
          %add3A_169 = arith.addi %add3A_123, %add3A_168 : i32
          %dma_start3A_170 = arith.constant 0 : i32
          %dma_start3A_171 = arith.constant 0 : i32
          %dma_start3A_172 = tpu.memref_slice %arg8[%rem3A_163, %dma_start3A_170, %dma_start3A_171] : memref<3x80x128xf32, #tpu.memory_space<vmem>> -> memref<1x80x128xf32, #tpu.memory_space<vmem>>
          %dma_start3A_173 = tpu.memref_squeeze %dma_start3A_172 : memref<1x80x128xf32, #tpu.memory_space<vmem>> -> memref<80x128xf32, #tpu.memory_space<vmem>>
          %dma_start3A_174 = arith.constant 0 : i32
          %dma_start3A_175 = tpu.memref_slice %arg6[%add3A_169, %dma_start3A_174] : memref<25x80xi32, #tpu.memory_space<vmem>> -> memref<1x80xi32, #tpu.memory_space<vmem>>
          %dma_start3A_176 = tpu.memref_squeeze %dma_start3A_175 : memref<1x80xi32, #tpu.memory_space<vmem>> -> memref<80xi32, #tpu.memory_space<vmem>>
          %dma_start3A_177 = arith.constant 0 : i32
          %dma_start3A_178 = arith.constant 0 : i32
          %dma_start3A_179 = tpu.memref_slice %arg2[%arg0, %dma_start3A_177, %dma_start3A_178] : memref<2x10000x128xf32, #tpu.memory_space<hbm>> -> memref<1x10000x128xf32, #tpu.memory_space<hbm>>
          %dma_start3A_180 = tpu.memref_squeeze %dma_start3A_179 : memref<1x10000x128xf32, #tpu.memory_space<hbm>> -> memref<10000x128xf32, #tpu.memory_space<hbm>>
          %dma_start3A_181 = arith.constant 0 : i32
          %dma_start3A_182 = arith.constant 0 : i32
          %dma_start3A_183 = tpu.memref_slice %dma_start3A_180[%dma_start3A_181, %dma_start3A_182] : memref<10000x128xf32, #tpu.memory_space<hbm>> -> memref<10000x128xf32, #tpu.memory_space<hbm>>
          %dma_start3A_184 = tpu.memref_slice %arg9[%rem3A_163] : memref<3x!tpu.dma_semaphore, #tpu.memory_space<semaphore_mem>> -> memref<1x!tpu.dma_semaphore, #tpu.memory_space<semaphore_mem>>
          %dma_start3A_185 = tpu.memref_squeeze %dma_start3A_184 : memref<1x!tpu.dma_semaphore, #tpu.memory_space<semaphore_mem>> -> memref<!tpu.dma_semaphore, #tpu.memory_space<semaphore_mem>>
          tpu.enqueue_indirect_dma source(%dma_start3A_183 : memref<10000x128xf32, #tpu.memory_space<hbm>>) target(%dma_start3A_173 : memref<80x128xf32, #tpu.memory_space<vmem>>) offsets(%dma_start3A_176 : memref<80xi32, #tpu.memory_space<vmem>>) semaphore(%dma_start3A_185 : memref<!tpu.dma_semaphore, #tpu.memory_space<semaphore_mem>>)
        } else {
        }
      }
      %scan3A_74 = arith.constant 25 : i32
      %dma_wait3A = arith.constant 1 : i32
      %dma_wait3A_75 = arith.constant 22 : i32
      %dma_wait3A_76 = arith.constant 1 : i32
      %dma_wait3A_77 = arith.constant 0 : i32
      %dma_wait3A_78 = arith.constant 0 : i32
      %dma_wait3A_79 = tpu.memref_slice %arg8[%dma_wait3A, %dma_wait3A_77, %dma_wait3A_78] : memref<3x80x128xf32, #tpu.memory_space<vmem>> -> memref<1x80x128xf32, #tpu.memory_space<vmem>>
      %dma_wait3A_80 = tpu.memref_squeeze %dma_wait3A_79 : memref<1x80x128xf32, #tpu.memory_space<vmem>> -> memref<80x128xf32, #tpu.memory_space<vmem>>
      %dma_wait3A_81 = arith.constant 0 : i32
      %dma_wait3A_82 = tpu.memref_slice %arg7[%dma_wait3A_75, %dma_wait3A_81] : memref<25x80xi32, #tpu.memory_space<vmem>> -> memref<1x80xi32, #tpu.memory_space<vmem>>
      %dma_wait3A_83 = tpu.memref_squeeze %dma_wait3A_82 : memref<1x80xi32, #tpu.memory_space<vmem>> -> memref<80xi32, #tpu.memory_space<vmem>>
      %dma_wait3A_84 = arith.constant 0 : i32
      %dma_wait3A_85 = arith.constant 0 : i32
      %dma_wait3A_86 = tpu.memref_slice %arg5[%dma_wait3A_84, %dma_wait3A_85] : memref<10000x128xf32, #tpu.memory_space<vmem_shared>> -> memref<10000x128xf32, #tpu.memory_space<vmem_shared>>
      %dma_wait3A_87 = tpu.memref_slice %arg10[%dma_wait3A_76] : memref<3x!tpu.dma_semaphore, #tpu.memory_space<semaphore_mem>> -> memref<1x!tpu.dma_semaphore, #tpu.memory_space<semaphore_mem>>
      %dma_wait3A_88 = tpu.memref_squeeze %dma_wait3A_87 : memref<1x!tpu.dma_semaphore, #tpu.memory_space<semaphore_mem>> -> memref<!tpu.dma_semaphore, #tpu.memory_space<semaphore_mem>>
      tpu.wait_indirect_dma semaphore(%dma_wait3A_88 : memref<!tpu.dma_semaphore, #tpu.memory_space<semaphore_mem>>) src(%dma_wait3A_80 : memref<80x128xf32, #tpu.memory_space<vmem>>) dst(%dma_wait3A_86 : memref<10000x128xf32, #tpu.memory_space<vmem_shared>>)
      %dma_wait3A_89 = arith.constant 2 : i32
      %dma_wait3A_90 = arith.constant 23 : i32
      %dma_wait3A_91 = arith.constant 2 : i32
      %dma_wait3A_92 = arith.constant 0 : i32
      %dma_wait3A_93 = arith.constant 0 : i32
      %dma_wait3A_94 = tpu.memref_slice %arg8[%dma_wait3A_89, %dma_wait3A_92, %dma_wait3A_93] : memref<3x80x128xf32, #tpu.memory_space<vmem>> -> memref<1x80x128xf32, #tpu.memory_space<vmem>>
      %dma_wait3A_95 = tpu.memref_squeeze %dma_wait3A_94 : memref<1x80x128xf32, #tpu.memory_space<vmem>> -> memref<80x128xf32, #tpu.memory_space<vmem>>
      %dma_wait3A_96 = arith.constant 0 : i32
      %dma_wait3A_97 = tpu.memref_slice %arg7[%dma_wait3A_90, %dma_wait3A_96] : memref<25x80xi32, #tpu.memory_space<vmem>> -> memref<1x80xi32, #tpu.memory_space<vmem>>
      %dma_wait3A_98 = tpu.memref_squeeze %dma_wait3A_97 : memref<1x80xi32, #tpu.memory_space<vmem>> -> memref<80xi32, #tpu.memory_space<vmem>>
      %dma_wait3A_99 = arith.constant 0 : i32
      %dma_wait3A_100 = arith.constant 0 : i32
      %dma_wait3A_101 = tpu.memref_slice %arg5[%dma_wait3A_99, %dma_wait3A_100] : memref<10000x128xf32, #tpu.memory_space<vmem_shared>> -> memref<10000x128xf32, #tpu.memory_space<vmem_shared>>
      %dma_wait3A_102 = tpu.memref_slice %arg10[%dma_wait3A_91] : memref<3x!tpu.dma_semaphore, #tpu.memory_space<semaphore_mem>> -> memref<1x!tpu.dma_semaphore, #tpu.memory_space<semaphore_mem>>
      %dma_wait3A_103 = tpu.memref_squeeze %dma_wait3A_102 : memref<1x!tpu.dma_semaphore, #tpu.memory_space<semaphore_mem>> -> memref<!tpu.dma_semaphore, #tpu.memory_space<semaphore_mem>>
      tpu.wait_indirect_dma semaphore(%dma_wait3A_103 : memref<!tpu.dma_semaphore, #tpu.memory_space<semaphore_mem>>) src(%dma_wait3A_95 : memref<80x128xf32, #tpu.memory_space<vmem>>) dst(%dma_wait3A_101 : memref<10000x128xf32, #tpu.memory_space<vmem_shared>>)
      %dma_wait3A_104 = arith.constant 0 : i32
      %dma_wait3A_105 = arith.constant 24 : i32
      %dma_wait3A_106 = arith.constant 0 : i32
      %dma_wait3A_107 = arith.constant 0 : i32
      %dma_wait3A_108 = arith.constant 0 : i32
      %dma_wait3A_109 = tpu.memref_slice %arg8[%dma_wait3A_104, %dma_wait3A_107, %dma_wait3A_108] : memref<3x80x128xf32, #tpu.memory_space<vmem>> -> memref<1x80x128xf32, #tpu.memory_space<vmem>>
      %dma_wait3A_110 = tpu.memref_squeeze %dma_wait3A_109 : memref<1x80x128xf32, #tpu.memory_space<vmem>> -> memref<80x128xf32, #tpu.memory_space<vmem>>
      %dma_wait3A_111 = arith.constant 0 : i32
      %dma_wait3A_112 = tpu.memref_slice %arg7[%dma_wait3A_105, %dma_wait3A_111] : memref<25x80xi32, #tpu.memory_space<vmem>> -> memref<1x80xi32, #tpu.memory_space<vmem>>
      %dma_wait3A_113 = tpu.memref_squeeze %dma_wait3A_112 : memref<1x80xi32, #tpu.memory_space<vmem>> -> memref<80xi32, #tpu.memory_space<vmem>>
      %dma_wait3A_114 = arith.constant 0 : i32
      %dma_wait3A_115 = arith.constant 0 : i32
      %dma_wait3A_116 = tpu.memref_slice %arg5[%dma_wait3A_114, %dma_wait3A_115] : memref<10000x128xf32, #tpu.memory_space<vmem_shared>> -> memref<10000x128xf32, #tpu.memory_space<vmem_shared>>
      %dma_wait3A_117 = tpu.memref_slice %arg10[%dma_wait3A_106] : memref<3x!tpu.dma_semaphore, #tpu.memory_space<semaphore_mem>> -> memref<1x!tpu.dma_semaphore, #tpu.memory_space<semaphore_mem>>
      %dma_wait3A_118 = tpu.memref_squeeze %dma_wait3A_117 : memref<1x!tpu.dma_semaphore, #tpu.memory_space<semaphore_mem>> -> memref<!tpu.dma_semaphore, #tpu.memory_space<semaphore_mem>>
      tpu.wait_indirect_dma semaphore(%dma_wait3A_118 : memref<!tpu.dma_semaphore, #tpu.memory_space<semaphore_mem>>) src(%dma_wait3A_110 : memref<80x128xf32, #tpu.memory_space<vmem>>) dst(%dma_wait3A_116 : memref<10000x128xf32, #tpu.memory_space<vmem_shared>>)
    }
    %scan3A_10 = arith.constant 10 : i32
    %barrier3A_11 = arith.constant 0 : index
    tpu.barrier barrier_id(%barrier3A_11)
    %lt3A_12 = arith.constant 15 : i32
    %lt3A_13 = arith.cmpi slt, %arg1, %lt3A_12 : i32
    %convert_element_type3A_14 = arith.extui %lt3A_13 : i1 to i32
    %cond3A_15 = arith.constant 0 : i32
    %cond3A_16 = arith.cmpi ne, %convert_element_type3A_14, %cond3A_15 : i32
    scf.if %cond3A_16 {
      "tpu.region"() ({
        %run_scoped3A = tpu.sem_alloc : memref<!tpu.dma_semaphore, #tpu.memory_space<semaphore_mem>>
        %dma_start3A = arith.constant 0 : i32
        %dma_start3A_22 = tpu.memref_slice %arg4[%arg0, %multiple_of3A, %dma_start3A] : memref<2x10000x128xf32, #tpu.memory_space<hbm>> -> memref<1x624x128xf32, #tpu.memory_space<hbm>>
        %dma_start3A_23 = tpu.memref_squeeze %dma_start3A_22 : memref<1x624x128xf32, #tpu.memory_space<hbm>> -> memref<624x128xf32, #tpu.memory_space<hbm>>
        %dma_start3A_24 = arith.constant 0 : i32
        %dma_start3A_25 = tpu.memref_slice %arg5[%multiple_of3A, %dma_start3A_24] : memref<10000x128xf32, #tpu.memory_space<vmem_shared>> -> memref<624x128xf32, #tpu.memory_space<vmem_shared>>
        tpu.enqueue_dma source(%dma_start3A_25 : memref<624x128xf32, #tpu.memory_space<vmem_shared>>) target(%dma_start3A_23 : memref<624x128xf32, #tpu.memory_space<hbm>>) target_semaphore(%run_scoped3A : memref<!tpu.dma_semaphore, #tpu.memory_space<semaphore_mem>>)
        %dma_wait3A = arith.constant 0 : i32
        %dma_wait3A_26 = tpu.memref_slice %arg4[%arg0, %multiple_of3A, %dma_wait3A] : memref<2x10000x128xf32, #tpu.memory_space<hbm>> -> memref<1x624x128xf32, #tpu.memory_space<hbm>>
        %dma_wait3A_27 = tpu.memref_squeeze %dma_wait3A_26 : memref<1x624x128xf32, #tpu.memory_space<hbm>> -> memref<624x128xf32, #tpu.memory_space<hbm>>
        %dma_wait3A_28 = arith.constant 0 : i32
        %dma_wait3A_29 = tpu.memref_slice %arg5[%multiple_of3A, %dma_wait3A_28] : memref<10000x128xf32, #tpu.memory_space<vmem_shared>> -> memref<624x128xf32, #tpu.memory_space<vmem_shared>>
        tpu.wait_dma2 semaphore(%run_scoped3A : memref<!tpu.dma_semaphore, #tpu.memory_space<semaphore_mem>>) src(%dma_wait3A_29 : memref<624x128xf32, #tpu.memory_space<vmem_shared>>) dst(%dma_wait3A_27 : memref<624x128xf32, #tpu.memory_space<hbm>>)
        tpu.yield
      }) : () -> ()
    } else {
    }
    %eq3A_17 = arith.constant 15 : i32
    %eq3A_18 = arith.cmpi eq, %arg1, %eq3A_17 : i32
    %convert_element_type3A_19 = arith.extui %eq3A_18 : i1 to i32
    %cond3A_20 = arith.constant 0 : i32
    %cond3A_21 = arith.cmpi ne, %convert_element_type3A_19, %cond3A_20 : i32
    scf.if %cond3A_21 {
      "tpu.region"() ({
        %run_scoped3A = tpu.sem_alloc : memref<!tpu.dma_semaphore, #tpu.memory_space<semaphore_mem>>
        %dma_start3A = arith.constant 0 : i32
        %dma_start3A_22 = tpu.memref_slice %arg4[%arg0, %multiple_of3A, %dma_start3A] : memref<2x10000x128xf32, #tpu.memory_space<hbm>> -> memref<1x640x128xf32, #tpu.memory_space<hbm>>
        %dma_start3A_23 = tpu.memref_squeeze %dma_start3A_22 : memref<1x640x128xf32, #tpu.memory_space<hbm>> -> memref<640x128xf32, #tpu.memory_space<hbm>>
        %dma_start3A_24 = arith.constant 0 : i32
        %dma_start3A_25 = tpu.memref_slice %arg5[%multiple_of3A, %dma_start3A_24] : memref<10000x128xf32, #tpu.memory_space<vmem_shared>> -> memref<640x128xf32, #tpu.memory_space<vmem_shared>>
        tpu.enqueue_dma source(%dma_start3A_25 : memref<640x128xf32, #tpu.memory_space<vmem_shared>>) target(%dma_start3A_23 : memref<640x128xf32, #tpu.memory_space<hbm>>) target_semaphore(%run_scoped3A : memref<!tpu.dma_semaphore, #tpu.memory_space<semaphore_mem>>)
        %dma_wait3A = arith.constant 0 : i32
        %dma_wait3A_26 = tpu.memref_slice %arg4[%arg0, %multiple_of3A, %dma_wait3A] : memref<2x10000x128xf32, #tpu.memory_space<hbm>> -> memref<1x640x128xf32, #tpu.memory_space<hbm>>
        %dma_wait3A_27 = tpu.memref_squeeze %dma_wait3A_26 : memref<1x640x128xf32, #tpu.memory_space<hbm>> -> memref<640x128xf32, #tpu.memory_space<hbm>>
        %dma_wait3A_28 = arith.constant 0 : i32
        %dma_wait3A_29 = tpu.memref_slice %arg5[%multiple_of3A, %dma_wait3A_28] : memref<10000x128xf32, #tpu.memory_space<vmem_shared>> -> memref<640x128xf32, #tpu.memory_space<vmem_shared>>
        tpu.wait_dma2 semaphore(%run_scoped3A : memref<!tpu.dma_semaphore, #tpu.memory_space<semaphore_mem>>) src(%dma_wait3A_29 : memref<640x128xf32, #tpu.memory_space<vmem_shared>>) dst(%dma_wait3A_27 : memref<640x128xf32, #tpu.memory_space<hbm>>)
        tpu.yield
      }) : () -> ()
    } else {
    }
    return
  }
}

#map = affine_map<(d0, d1) -> (0, 0, 0, 0)>
#map1 = affine_map<(d0, d1) -> (0, 0)>
#map2 = affine_map<(d0, d1) -> (0)>
module attributes {stable_mosaic.version = 14 : i64} {
  func.func @hist_kernel(%arg0: i32, %arg1: i32, %arg2: memref<2x160x25x80xi32, #tpu.memory_space<hbm>>, %arg3: memref<2x10000xf32, #tpu.memory_space<hbm>>, %arg4: memref<80xf32, #tpu.memory_space<hbm>>, %arg5: memref<2x10000xf32, #tpu.memory_space<hbm>>, %arg6: memref<10000xf32, #tpu.memory_space<vmem_shared>>, %arg7: memref<5x25x80xi32, #tpu.memory_space<vmem>>, %arg8: memref<80xf32, #tpu.memory_space<vmem>>, %arg9: memref<4x!tpu.dma_semaphore, #tpu.memory_space<semaphore_mem>>) attributes {dimension_semantics = [#tpu.dimension_semantics<core_parallel>, #tpu.dimension_semantics<subcore_parallel>], iteration_bounds = array<i64: 2, 16>, scalar_prefetch = 0 : i64, scratch_operands = 4 : i64, tpu.core_type = #tpu.core_type<sc_vector_subcore>, window_params = [{transform_indices = #map}, {transform_indices = #map1}, {transform_indices = #map2}, {transform_indices = #map1}]} {
    %mul3A = arith.constant 16 : i32
    %mul3A_0 = arith.muli %arg0, %mul3A : i32
    %add3A = arith.addi %mul3A_0, %arg1 : i32
    %mul3A_1 = arith.constant 5 : i32
    %mul3A_2 = arith.muli %add3A, %mul3A_1 : i32
    %run_scoped3A = arith.constant 1 : i32
    "tpu.region"() ({
      %run_scoped3A_20 = tpu.sem_alloc : memref<!tpu.dma_semaphore, #tpu.memory_space<semaphore_mem>>
      %dma_start3A = arith.constant 0 : i32
      %dma_start3A_21 = arith.constant 0 : i32
      %dma_start3A_22 = tpu.memref_slice %arg2[%run_scoped3A, %mul3A_2, %dma_start3A, %dma_start3A_21] : memref<2x160x25x80xi32, #tpu.memory_space<hbm>> -> memref<1x5x25x80xi32, #tpu.memory_space<hbm>>
      %dma_start3A_23 = tpu.memref_squeeze %dma_start3A_22 : memref<1x5x25x80xi32, #tpu.memory_space<hbm>> -> memref<5x25x80xi32, #tpu.memory_space<hbm>>
      %dma_start3A_24 = arith.constant 0 : i32
      %dma_start3A_25 = arith.constant 0 : i32
      %dma_start3A_26 = tpu.memref_slice %arg2[%run_scoped3A, %mul3A_2, %dma_start3A_24, %dma_start3A_25] : memref<2x160x25x80xi32, #tpu.memory_space<hbm>> -> memref<1x5x25x80xi32, #tpu.memory_space<hbm>>
      %dma_start3A_27 = tpu.memref_squeeze %dma_start3A_26 : memref<1x5x25x80xi32, #tpu.memory_space<hbm>> -> memref<5x25x80xi32, #tpu.memory_space<hbm>>
      tpu.enqueue_dma source(%dma_start3A_27 : memref<5x25x80xi32, #tpu.memory_space<hbm>>) target(%arg7 : memref<5x25x80xi32, #tpu.memory_space<vmem>>) target_semaphore(%run_scoped3A_20 : memref<!tpu.dma_semaphore, #tpu.memory_space<semaphore_mem>>)
      %dma_wait3A = arith.constant 0 : i32
      %dma_wait3A_28 = arith.constant 0 : i32
      %dma_wait3A_29 = tpu.memref_slice %arg2[%run_scoped3A, %mul3A_2, %dma_wait3A, %dma_wait3A_28] : memref<2x160x25x80xi32, #tpu.memory_space<hbm>> -> memref<1x5x25x80xi32, #tpu.memory_space<hbm>>
      %dma_wait3A_30 = tpu.memref_squeeze %dma_wait3A_29 : memref<1x5x25x80xi32, #tpu.memory_space<hbm>> -> memref<5x25x80xi32, #tpu.memory_space<hbm>>
      %dma_wait3A_31 = arith.constant 0 : i32
      %dma_wait3A_32 = arith.constant 0 : i32
      %dma_wait3A_33 = tpu.memref_slice %arg2[%run_scoped3A, %mul3A_2, %dma_wait3A_31, %dma_wait3A_32] : memref<2x160x25x80xi32, #tpu.memory_space<hbm>> -> memref<1x5x25x80xi32, #tpu.memory_space<hbm>>
      %dma_wait3A_34 = tpu.memref_squeeze %dma_wait3A_33 : memref<1x5x25x80xi32, #tpu.memory_space<hbm>> -> memref<5x25x80xi32, #tpu.memory_space<hbm>>
      tpu.wait_dma2 semaphore(%run_scoped3A_20 : memref<!tpu.dma_semaphore, #tpu.memory_space<semaphore_mem>>) src(%dma_wait3A_34 : memref<5x25x80xi32, #tpu.memory_space<hbm>>) dst(%arg7 : memref<5x25x80xi32, #tpu.memory_space<vmem>>)
      tpu.yield
    }) : () -> ()
    "tpu.region"() ({
      %run_scoped3A_20 = tpu.sem_alloc : memref<!tpu.dma_semaphore, #tpu.memory_space<semaphore_mem>>
      tpu.enqueue_dma source(%arg4 : memref<80xf32, #tpu.memory_space<hbm>>) target(%arg8 : memref<80xf32, #tpu.memory_space<vmem>>) target_semaphore(%run_scoped3A_20 : memref<!tpu.dma_semaphore, #tpu.memory_space<semaphore_mem>>)
      tpu.wait_dma2 semaphore(%run_scoped3A_20 : memref<!tpu.dma_semaphore, #tpu.memory_space<semaphore_mem>>) src(%arg4 : memref<80xf32, #tpu.memory_space<hbm>>) dst(%arg8 : memref<80xf32, #tpu.memory_space<vmem>>)
      tpu.yield
    }) : () -> ()
    %eq3A = arith.constant 0 : i32
    %eq3A_3 = arith.cmpi eq, %arg1, %eq3A : i32
    %convert_element_type3A = arith.extui %eq3A_3 : i1 to i32
    %cond3A = arith.constant 0 : i32
    %cond3A_4 = arith.cmpi ne, %convert_element_type3A, %cond3A : i32
    scf.if %cond3A_4 {
      "tpu.region"() ({
        %run_scoped3A_20 = tpu.sem_alloc : memref<!tpu.dma_semaphore, #tpu.memory_space<semaphore_mem>>
        %dma_start3A = arith.constant 0 : i32
        %dma_start3A_21 = tpu.memref_slice %arg3[%arg0, %dma_start3A] : memref<2x10000xf32, #tpu.memory_space<hbm>> -> memref<1x10000xf32, #tpu.memory_space<hbm>>
        %dma_start3A_22 = tpu.memref_squeeze %dma_start3A_21 : memref<1x10000xf32, #tpu.memory_space<hbm>> -> memref<10000xf32, #tpu.memory_space<hbm>>
        tpu.enqueue_dma source(%dma_start3A_22 : memref<10000xf32, #tpu.memory_space<hbm>>) target(%arg6 : memref<10000xf32, #tpu.memory_space<vmem_shared>>) target_semaphore(%run_scoped3A_20 : memref<!tpu.dma_semaphore, #tpu.memory_space<semaphore_mem>>)
        %dma_wait3A = arith.constant 0 : i32
        %dma_wait3A_23 = tpu.memref_slice %arg3[%arg0, %dma_wait3A] : memref<2x10000xf32, #tpu.memory_space<hbm>> -> memref<1x10000xf32, #tpu.memory_space<hbm>>
        %dma_wait3A_24 = tpu.memref_squeeze %dma_wait3A_23 : memref<1x10000xf32, #tpu.memory_space<hbm>> -> memref<10000xf32, #tpu.memory_space<hbm>>
        tpu.wait_dma2 semaphore(%run_scoped3A_20 : memref<!tpu.dma_semaphore, #tpu.memory_space<semaphore_mem>>) src(%dma_wait3A_24 : memref<10000xf32, #tpu.memory_space<hbm>>) dst(%arg6 : memref<10000xf32, #tpu.memory_space<vmem_shared>>)
        tpu.yield
      }) : () -> ()
    } else {
    }
    %barrier3A = arith.constant 0 : index
    tpu.barrier barrier_id(%barrier3A)
    %scan3A = arith.constant 0 : i32
    %scan3A_5 = arith.constant 125 : i32
    %scan3A_6 = arith.addi %scan3A, %scan3A_5 : i32
    %scan3A_7 = arith.constant 1 : i32
    scf.for %scan3A_20 = %scan3A to %scan3A_6 step %scan3A_7  : i32 {
      %mul3A_21 = arith.constant 1 : i32
      %mul3A_22 = arith.muli %scan3A_20, %mul3A_21 : i32
      %add3A_23 = arith.constant 0 : i32
      %add3A_24 = arith.addi %add3A_23, %mul3A_22 : i32
      %ge3A = arith.constant 4 : i32
      %ge3A_25 = arith.cmpi sge, %add3A_24, %ge3A : i32
      %convert_element_type3A_26 = arith.extui %ge3A_25 : i1 to i32
      %cond3A_27 = arith.constant 0 : i32
      %cond3A_28 = arith.cmpi ne, %convert_element_type3A_26, %cond3A_27 : i32
      scf.if %cond3A_28 {
        %div3A_39 = arith.constant 25 : i32
        %div3A_40 = arith.divsi %add3A_24, %div3A_39 : i32
        %rem3A_41 = arith.constant 25 : i32
        %rem3A_42 = arith.remsi %add3A_24, %rem3A_41 : i32
        %rem3A_43 = arith.constant 4 : i32
        %rem3A_44 = arith.remsi %add3A_24, %rem3A_43 : i32
        %dma_wait3A = arith.constant 0 : i32
        %dma_wait3A_45 = tpu.memref_slice %arg7[%div3A_40, %rem3A_42, %dma_wait3A] : memref<5x25x80xi32, #tpu.memory_space<vmem>> -> memref<1x1x80xi32, #tpu.memory_space<vmem>>
        %dma_wait3A_46 = tpu.memref_squeeze %dma_wait3A_45 : memref<1x1x80xi32, #tpu.memory_space<vmem>> -> memref<80xi32, #tpu.memory_space<vmem>>
        %dma_wait3A_47 = arith.constant 0 : i32
        %dma_wait3A_48 = tpu.memref_slice %arg6[%dma_wait3A_47] : memref<10000xf32, #tpu.memory_space<vmem_shared>> -> memref<10000xf32, #tpu.memory_space<vmem_shared>>
        %dma_wait3A_49 = tpu.memref_slice %arg9[%rem3A_44] : memref<4x!tpu.dma_semaphore, #tpu.memory_space<semaphore_mem>> -> memref<1x!tpu.dma_semaphore, #tpu.memory_space<semaphore_mem>>
        %dma_wait3A_50 = tpu.memref_squeeze %dma_wait3A_49 : memref<1x!tpu.dma_semaphore, #tpu.memory_space<semaphore_mem>> -> memref<!tpu.dma_semaphore, #tpu.memory_space<semaphore_mem>>
        tpu.wait_indirect_dma semaphore(%dma_wait3A_50 : memref<!tpu.dma_semaphore, #tpu.memory_space<semaphore_mem>>) src(%arg8 : memref<80xf32, #tpu.memory_space<vmem>>) dst(%dma_wait3A_48 : memref<10000xf32, #tpu.memory_space<vmem_shared>>)
      } else {
      }
      %div3A = arith.constant 25 : i32
      %div3A_29 = arith.divsi %add3A_24, %div3A : i32
      %rem3A = arith.constant 25 : i32
      %rem3A_30 = arith.remsi %add3A_24, %rem3A : i32
      %rem3A_31 = arith.constant 4 : i32
      %rem3A_32 = arith.remsi %add3A_24, %rem3A_31 : i32
      %dma_start3A = arith.constant 0 : i32
      %dma_start3A_33 = tpu.memref_slice %arg7[%div3A_29, %rem3A_30, %dma_start3A] : memref<5x25x80xi32, #tpu.memory_space<vmem>> -> memref<1x1x80xi32, #tpu.memory_space<vmem>>
      %dma_start3A_34 = tpu.memref_squeeze %dma_start3A_33 : memref<1x1x80xi32, #tpu.memory_space<vmem>> -> memref<80xi32, #tpu.memory_space<vmem>>
      %dma_start3A_35 = arith.constant 0 : i32
      %dma_start3A_36 = tpu.memref_slice %arg6[%dma_start3A_35] : memref<10000xf32, #tpu.memory_space<vmem_shared>> -> memref<10000xf32, #tpu.memory_space<vmem_shared>>
      %dma_start3A_37 = tpu.memref_slice %arg9[%rem3A_32] : memref<4x!tpu.dma_semaphore, #tpu.memory_space<semaphore_mem>> -> memref<1x!tpu.dma_semaphore, #tpu.memory_space<semaphore_mem>>
      %dma_start3A_38 = tpu.memref_squeeze %dma_start3A_37 : memref<1x!tpu.dma_semaphore, #tpu.memory_space<semaphore_mem>> -> memref<!tpu.dma_semaphore, #tpu.memory_space<semaphore_mem>>
      tpu.enqueue_indirect_dma source(%arg8 : memref<80xf32, #tpu.memory_space<vmem>>) target(%dma_start3A_36 : memref<10000xf32, #tpu.memory_space<vmem_shared>>) offsets(%dma_start3A_34 : memref<80xi32, #tpu.memory_space<vmem>>) semaphore(%dma_start3A_38 : memref<!tpu.dma_semaphore, #tpu.memory_space<semaphore_mem>>) {add = true}
    }
    %scan3A_8 = arith.constant 125 : i32
    %scan3A_9 = arith.constant 0 : i32
    %scan3A_10 = arith.constant 4 : i32
    %scan3A_11 = arith.addi %scan3A_9, %scan3A_10 : i32
    %scan3A_12 = arith.constant 1 : i32
    scf.for %scan3A_20 = %scan3A_9 to %scan3A_11 step %scan3A_12  : i32 {
      %mul3A_21 = arith.constant 1 : i32
      %mul3A_22 = arith.muli %scan3A_20, %mul3A_21 : i32
      %add3A_23 = arith.constant 121 : i32
      %add3A_24 = arith.addi %add3A_23, %mul3A_22 : i32
      %div3A = arith.constant 25 : i32
      %div3A_25 = arith.divsi %add3A_24, %div3A : i32
      %rem3A = arith.constant 25 : i32
      %rem3A_26 = arith.remsi %add3A_24, %rem3A : i32
      %rem3A_27 = arith.constant 4 : i32
      %rem3A_28 = arith.remsi %add3A_24, %rem3A_27 : i32
      %dma_wait3A = arith.constant 0 : i32
      %dma_wait3A_29 = tpu.memref_slice %arg7[%div3A_25, %rem3A_26, %dma_wait3A] : memref<5x25x80xi32, #tpu.memory_space<vmem>> -> memref<1x1x80xi32, #tpu.memory_space<vmem>>
      %dma_wait3A_30 = tpu.memref_squeeze %dma_wait3A_29 : memref<1x1x80xi32, #tpu.memory_space<vmem>> -> memref<80xi32, #tpu.memory_space<vmem>>
      %dma_wait3A_31 = arith.constant 0 : i32
      %dma_wait3A_32 = tpu.memref_slice %arg6[%dma_wait3A_31] : memref<10000xf32, #tpu.memory_space<vmem_shared>> -> memref<10000xf32, #tpu.memory_space<vmem_shared>>
      %dma_wait3A_33 = tpu.memref_slice %arg9[%rem3A_28] : memref<4x!tpu.dma_semaphore, #tpu.memory_space<semaphore_mem>> -> memref<1x!tpu.dma_semaphore, #tpu.memory_space<semaphore_mem>>
      %dma_wait3A_34 = tpu.memref_squeeze %dma_wait3A_33 : memref<1x!tpu.dma_semaphore, #tpu.memory_space<semaphore_mem>> -> memref<!tpu.dma_semaphore, #tpu.memory_space<semaphore_mem>>
      tpu.wait_indirect_dma semaphore(%dma_wait3A_34 : memref<!tpu.dma_semaphore, #tpu.memory_space<semaphore_mem>>) src(%arg8 : memref<80xf32, #tpu.memory_space<vmem>>) dst(%dma_wait3A_32 : memref<10000xf32, #tpu.memory_space<vmem_shared>>)
    }
    %scan3A_13 = arith.constant 4 : i32
    %barrier3A_14 = arith.constant 0 : index
    tpu.barrier barrier_id(%barrier3A_14)
    %eq3A_15 = arith.constant 0 : i32
    %eq3A_16 = arith.cmpi eq, %arg1, %eq3A_15 : i32
    %convert_element_type3A_17 = arith.extui %eq3A_16 : i1 to i32
    %cond3A_18 = arith.constant 0 : i32
    %cond3A_19 = arith.cmpi ne, %convert_element_type3A_17, %cond3A_18 : i32
    scf.if %cond3A_19 {
      "tpu.region"() ({
        %run_scoped3A_20 = tpu.sem_alloc : memref<!tpu.dma_semaphore, #tpu.memory_space<semaphore_mem>>
        %dma_start3A = arith.constant 0 : i32
        %dma_start3A_21 = tpu.memref_slice %arg5[%arg0, %dma_start3A] : memref<2x10000xf32, #tpu.memory_space<hbm>> -> memref<1x10000xf32, #tpu.memory_space<hbm>>
        %dma_start3A_22 = tpu.memref_squeeze %dma_start3A_21 : memref<1x10000xf32, #tpu.memory_space<hbm>> -> memref<10000xf32, #tpu.memory_space<hbm>>
        tpu.enqueue_dma source(%arg6 : memref<10000xf32, #tpu.memory_space<vmem_shared>>) target(%dma_start3A_22 : memref<10000xf32, #tpu.memory_space<hbm>>) target_semaphore(%run_scoped3A_20 : memref<!tpu.dma_semaphore, #tpu.memory_space<semaphore_mem>>)
        %dma_wait3A = arith.constant 0 : i32
        %dma_wait3A_23 = tpu.memref_slice %arg5[%arg0, %dma_wait3A] : memref<2x10000xf32, #tpu.memory_space<hbm>> -> memref<1x10000xf32, #tpu.memory_space<hbm>>
        %dma_wait3A_24 = tpu.memref_squeeze %dma_wait3A_23 : memref<1x10000xf32, #tpu.memory_space<hbm>> -> memref<10000xf32, #tpu.memory_space<hbm>>
        tpu.wait_dma2 semaphore(%run_scoped3A_20 : memref<!tpu.dma_semaphore, #tpu.memory_space<semaphore_mem>>) src(%arg6 : memref<10000xf32, #tpu.memory_space<vmem_shared>>) dst(%dma_wait3A_24 : memref<10000xf32, #tpu.memory_space<hbm>>)
        tpu.yield
      }) : () -> ()
    } else {
    }
    return
  }
}

#map = affine_map<(d0, d1) -> (0, 0)>
#map1 = affine_map<(d0, d1) -> (0, 0, 0, 0)>
#map2 = affine_map<(d0, d1) -> (0, 0, 0)>
module attributes {stable_mosaic.version = 14 : i64} {
  func.func @agg_kernel(%arg0: i32, %arg1: i32, %arg2: memref<10000x128xf32, #tpu.memory_space<hbm>>, %arg3: memref<10000x128xf32, #tpu.memory_space<hbm>>, %arg4: memref<2x160x25x80xi32, #tpu.memory_space<hbm>>, %arg5: memref<2x10000x128xf32, #tpu.memory_space<hbm>>, %arg6: memref<10000x128xf32, #tpu.memory_space<vmem_shared>>, %arg7: memref<25x80xi32, #tpu.memory_space<vmem>>, %arg8: memref<25x80xi32, #tpu.memory_space<vmem>>, %arg9: memref<3x80x128xf32, #tpu.memory_space<vmem>>, %arg10: memref<3x!tpu.dma_semaphore, #tpu.memory_space<semaphore_mem>>, %arg11: memref<3x!tpu.dma_semaphore, #tpu.memory_space<semaphore_mem>>) attributes {dimension_semantics = [#tpu.dimension_semantics<core_parallel>, #tpu.dimension_semantics<subcore_parallel>], iteration_bounds = array<i64: 2, 16>, scalar_prefetch = 0 : i64, scratch_operands = 6 : i64, tpu.core_type = #tpu.core_type<sc_vector_subcore>, window_params = [{transform_indices = #map}, {transform_indices = #map}, {transform_indices = #map1}, {transform_indices = #map2}]} {
    %mul3A = arith.constant 624 : i32
    %mul3A_0 = arith.muli %arg1, %mul3A : i32
    %multiple_of3A = tpu.assume_multiple %mul3A_0, 8 : i32
    %lt3A = arith.constant 15 : i32
    %lt3A_1 = arith.cmpi slt, %arg1, %lt3A : i32
    %convert_element_type3A = arith.extui %lt3A_1 : i1 to i32
    %cond3A = arith.constant 0 : i32
    %cond3A_2 = arith.cmpi ne, %convert_element_type3A, %cond3A : i32
    scf.if %cond3A_2 {
      %eq3A_26 = arith.constant 0 : i32
      %eq3A_27 = arith.cmpi eq, %arg0, %eq3A_26 : i32
      %convert_element_type3A_28 = arith.extui %eq3A_27 : i1 to i32
      %cond3A_29 = arith.constant 0 : i32
      %cond3A_30 = arith.cmpi ne, %convert_element_type3A_28, %cond3A_29 : i32
      scf.if %cond3A_30 {
        "tpu.region"() ({
          %run_scoped3A = tpu.sem_alloc : memref<!tpu.dma_semaphore, #tpu.memory_space<semaphore_mem>>
          %dma_start3A = arith.constant 0 : i32
          %dma_start3A_36 = tpu.memref_slice %arg6[%multiple_of3A, %dma_start3A] : memref<10000x128xf32, #tpu.memory_space<vmem_shared>> -> memref<624x128xf32, #tpu.memory_space<vmem_shared>>
          %dma_start3A_37 = arith.constant 0 : i32
          %dma_start3A_38 = tpu.memref_slice %arg2[%multiple_of3A, %dma_start3A_37] : memref<10000x128xf32, #tpu.memory_space<hbm>> -> memref<624x128xf32, #tpu.memory_space<hbm>>
          tpu.enqueue_dma source(%dma_start3A_38 : memref<624x128xf32, #tpu.memory_space<hbm>>) target(%dma_start3A_36 : memref<624x128xf32, #tpu.memory_space<vmem_shared>>) target_semaphore(%run_scoped3A : memref<!tpu.dma_semaphore, #tpu.memory_space<semaphore_mem>>)
          %dma_wait3A = arith.constant 0 : i32
          %dma_wait3A_39 = tpu.memref_slice %arg6[%multiple_of3A, %dma_wait3A] : memref<10000x128xf32, #tpu.memory_space<vmem_shared>> -> memref<624x128xf32, #tpu.memory_space<vmem_shared>>
          %dma_wait3A_40 = arith.constant 0 : i32
          %dma_wait3A_41 = tpu.memref_slice %arg2[%multiple_of3A, %dma_wait3A_40] : memref<10000x128xf32, #tpu.memory_space<hbm>> -> memref<624x128xf32, #tpu.memory_space<hbm>>
          tpu.wait_dma2 semaphore(%run_scoped3A : memref<!tpu.dma_semaphore, #tpu.memory_space<semaphore_mem>>) src(%dma_wait3A_41 : memref<624x128xf32, #tpu.memory_space<hbm>>) dst(%dma_wait3A_39 : memref<624x128xf32, #tpu.memory_space<vmem_shared>>)
          tpu.yield
        }) : () -> ()
      } else {
      }
      %eq3A_31 = arith.constant 1 : i32
      %eq3A_32 = arith.cmpi eq, %arg0, %eq3A_31 : i32
      %convert_element_type3A_33 = arith.extui %eq3A_32 : i1 to i32
      %cond3A_34 = arith.constant 0 : i32
      %cond3A_35 = arith.cmpi ne, %convert_element_type3A_33, %cond3A_34 : i32
      scf.if %cond3A_35 {
        "tpu.region"() ({
          %run_scoped3A = tpu.sem_alloc : memref<!tpu.dma_semaphore, #tpu.memory_space<semaphore_mem>>
          %dma_start3A = arith.constant 0 : i32
          %dma_start3A_36 = tpu.memref_slice %arg6[%multiple_of3A, %dma_start3A] : memref<10000x128xf32, #tpu.memory_space<vmem_shared>> -> memref<624x128xf32, #tpu.memory_space<vmem_shared>>
          %dma_start3A_37 = arith.constant 0 : i32
          %dma_start3A_38 = tpu.memref_slice %arg3[%multiple_of3A, %dma_start3A_37] : memref<10000x128xf32, #tpu.memory_space<hbm>> -> memref<624x128xf32, #tpu.memory_space<hbm>>
          tpu.enqueue_dma source(%dma_start3A_38 : memref<624x128xf32, #tpu.memory_space<hbm>>) target(%dma_start3A_36 : memref<624x128xf32, #tpu.memory_space<vmem_shared>>) target_semaphore(%run_scoped3A : memref<!tpu.dma_semaphore, #tpu.memory_space<semaphore_mem>>)
          %dma_wait3A = arith.constant 0 : i32
          %dma_wait3A_39 = tpu.memref_slice %arg6[%multiple_of3A, %dma_wait3A] : memref<10000x128xf32, #tpu.memory_space<vmem_shared>> -> memref<624x128xf32, #tpu.memory_space<vmem_shared>>
          %dma_wait3A_40 = arith.constant 0 : i32
          %dma_wait3A_41 = tpu.memref_slice %arg3[%multiple_of3A, %dma_wait3A_40] : memref<10000x128xf32, #tpu.memory_space<hbm>> -> memref<624x128xf32, #tpu.memory_space<hbm>>
          tpu.wait_dma2 semaphore(%run_scoped3A : memref<!tpu.dma_semaphore, #tpu.memory_space<semaphore_mem>>) src(%dma_wait3A_41 : memref<624x128xf32, #tpu.memory_space<hbm>>) dst(%dma_wait3A_39 : memref<624x128xf32, #tpu.memory_space<vmem_shared>>)
          tpu.yield
        }) : () -> ()
      } else {
      }
    } else {
    }
    %eq3A = arith.constant 15 : i32
    %eq3A_3 = arith.cmpi eq, %arg1, %eq3A : i32
    %convert_element_type3A_4 = arith.extui %eq3A_3 : i1 to i32
    %cond3A_5 = arith.constant 0 : i32
    %cond3A_6 = arith.cmpi ne, %convert_element_type3A_4, %cond3A_5 : i32
    scf.if %cond3A_6 {
      %eq3A_26 = arith.constant 0 : i32
      %eq3A_27 = arith.cmpi eq, %arg0, %eq3A_26 : i32
      %convert_element_type3A_28 = arith.extui %eq3A_27 : i1 to i32
      %cond3A_29 = arith.constant 0 : i32
      %cond3A_30 = arith.cmpi ne, %convert_element_type3A_28, %cond3A_29 : i32
      scf.if %cond3A_30 {
        "tpu.region"() ({
          %run_scoped3A = tpu.sem_alloc : memref<!tpu.dma_semaphore, #tpu.memory_space<semaphore_mem>>
          %dma_start3A = arith.constant 0 : i32
          %dma_start3A_36 = tpu.memref_slice %arg6[%multiple_of3A, %dma_start3A] : memref<10000x128xf32, #tpu.memory_space<vmem_shared>> -> memref<640x128xf32, #tpu.memory_space<vmem_shared>>
          %dma_start3A_37 = arith.constant 0 : i32
          %dma_start3A_38 = tpu.memref_slice %arg2[%multiple_of3A, %dma_start3A_37] : memref<10000x128xf32, #tpu.memory_space<hbm>> -> memref<640x128xf32, #tpu.memory_space<hbm>>
          tpu.enqueue_dma source(%dma_start3A_38 : memref<640x128xf32, #tpu.memory_space<hbm>>) target(%dma_start3A_36 : memref<640x128xf32, #tpu.memory_space<vmem_shared>>) target_semaphore(%run_scoped3A : memref<!tpu.dma_semaphore, #tpu.memory_space<semaphore_mem>>)
          %dma_wait3A = arith.constant 0 : i32
          %dma_wait3A_39 = tpu.memref_slice %arg6[%multiple_of3A, %dma_wait3A] : memref<10000x128xf32, #tpu.memory_space<vmem_shared>> -> memref<640x128xf32, #tpu.memory_space<vmem_shared>>
          %dma_wait3A_40 = arith.constant 0 : i32
          %dma_wait3A_41 = tpu.memref_slice %arg2[%multiple_of3A, %dma_wait3A_40] : memref<10000x128xf32, #tpu.memory_space<hbm>> -> memref<640x128xf32, #tpu.memory_space<hbm>>
          tpu.wait_dma2 semaphore(%run_scoped3A : memref<!tpu.dma_semaphore, #tpu.memory_space<semaphore_mem>>) src(%dma_wait3A_41 : memref<640x128xf32, #tpu.memory_space<hbm>>) dst(%dma_wait3A_39 : memref<640x128xf32, #tpu.memory_space<vmem_shared>>)
          tpu.yield
        }) : () -> ()
      } else {
      }
      %eq3A_31 = arith.constant 1 : i32
      %eq3A_32 = arith.cmpi eq, %arg0, %eq3A_31 : i32
      %convert_element_type3A_33 = arith.extui %eq3A_32 : i1 to i32
      %cond3A_34 = arith.constant 0 : i32
      %cond3A_35 = arith.cmpi ne, %convert_element_type3A_33, %cond3A_34 : i32
      scf.if %cond3A_35 {
        "tpu.region"() ({
          %run_scoped3A = tpu.sem_alloc : memref<!tpu.dma_semaphore, #tpu.memory_space<semaphore_mem>>
          %dma_start3A = arith.constant 0 : i32
          %dma_start3A_36 = tpu.memref_slice %arg6[%multiple_of3A, %dma_start3A] : memref<10000x128xf32, #tpu.memory_space<vmem_shared>> -> memref<640x128xf32, #tpu.memory_space<vmem_shared>>
          %dma_start3A_37 = arith.constant 0 : i32
          %dma_start3A_38 = tpu.memref_slice %arg3[%multiple_of3A, %dma_start3A_37] : memref<10000x128xf32, #tpu.memory_space<hbm>> -> memref<640x128xf32, #tpu.memory_space<hbm>>
          tpu.enqueue_dma source(%dma_start3A_38 : memref<640x128xf32, #tpu.memory_space<hbm>>) target(%dma_start3A_36 : memref<640x128xf32, #tpu.memory_space<vmem_shared>>) target_semaphore(%run_scoped3A : memref<!tpu.dma_semaphore, #tpu.memory_space<semaphore_mem>>)
          %dma_wait3A = arith.constant 0 : i32
          %dma_wait3A_39 = tpu.memref_slice %arg6[%multiple_of3A, %dma_wait3A] : memref<10000x128xf32, #tpu.memory_space<vmem_shared>> -> memref<640x128xf32, #tpu.memory_space<vmem_shared>>
          %dma_wait3A_40 = arith.constant 0 : i32
          %dma_wait3A_41 = tpu.memref_slice %arg3[%multiple_of3A, %dma_wait3A_40] : memref<10000x128xf32, #tpu.memory_space<hbm>> -> memref<640x128xf32, #tpu.memory_space<hbm>>
          tpu.wait_dma2 semaphore(%run_scoped3A : memref<!tpu.dma_semaphore, #tpu.memory_space<semaphore_mem>>) src(%dma_wait3A_41 : memref<640x128xf32, #tpu.memory_space<hbm>>) dst(%dma_wait3A_39 : memref<640x128xf32, #tpu.memory_space<vmem_shared>>)
          tpu.yield
        }) : () -> ()
      } else {
      }
    } else {
    }
    %barrier3A = arith.constant 0 : index
    tpu.barrier barrier_id(%barrier3A)
    %mul3A_7 = arith.constant 16 : i32
    %mul3A_8 = arith.muli %arg0, %mul3A_7 : i32
    %add3A = arith.addi %mul3A_8, %arg1 : i32
    %mul3A_9 = arith.constant 5 : i32
    %mul3A_10 = arith.muli %add3A, %mul3A_9 : i32
    %scan3A = arith.constant 0 : i32
    %scan3A_11 = arith.constant 5 : i32
    %scan3A_12 = arith.addi %scan3A, %scan3A_11 : i32
    %scan3A_13 = arith.constant 1 : i32
    scf.for %scan3A_26 = %scan3A to %scan3A_12 step %scan3A_13  : i32 {
      %mul3A_27 = arith.constant 1 : i32
      %mul3A_28 = arith.muli %scan3A_26, %mul3A_27 : i32
      %add3A_29 = arith.constant 0 : i32
      %add3A_30 = arith.addi %add3A_29, %mul3A_28 : i32
      %add3A_31 = arith.addi %mul3A_10, %add3A_30 : i32
      %run_scoped3A = arith.constant 0 : i32
      "tpu.region"() ({
        %run_scoped3A_112 = tpu.sem_alloc : memref<!tpu.dma_semaphore, #tpu.memory_space<semaphore_mem>>
        %dma_start3A_113 = arith.constant 0 : i32
        %dma_start3A_114 = arith.constant 0 : i32
        %dma_start3A_115 = tpu.memref_slice %arg4[%run_scoped3A, %add3A_31, %dma_start3A_113, %dma_start3A_114] : memref<2x160x25x80xi32, #tpu.memory_space<hbm>> -> memref<1x1x25x80xi32, #tpu.memory_space<hbm>>
        %dma_start3A_116 = tpu.memref_squeeze %dma_start3A_115 : memref<1x1x25x80xi32, #tpu.memory_space<hbm>> -> memref<25x80xi32, #tpu.memory_space<hbm>>
        %dma_start3A_117 = arith.constant 0 : i32
        %dma_start3A_118 = arith.constant 0 : i32
        %dma_start3A_119 = tpu.memref_slice %arg4[%run_scoped3A, %add3A_31, %dma_start3A_117, %dma_start3A_118] : memref<2x160x25x80xi32, #tpu.memory_space<hbm>> -> memref<1x1x25x80xi32, #tpu.memory_space<hbm>>
        %dma_start3A_120 = tpu.memref_squeeze %dma_start3A_119 : memref<1x1x25x80xi32, #tpu.memory_space<hbm>> -> memref<25x80xi32, #tpu.memory_space<hbm>>
        tpu.enqueue_dma source(%dma_start3A_120 : memref<25x80xi32, #tpu.memory_space<hbm>>) target(%arg7 : memref<25x80xi32, #tpu.memory_space<vmem>>) target_semaphore(%run_scoped3A_112 : memref<!tpu.dma_semaphore, #tpu.memory_space<semaphore_mem>>)
        %dma_wait3A_121 = arith.constant 0 : i32
        %dma_wait3A_122 = arith.constant 0 : i32
        %dma_wait3A_123 = tpu.memref_slice %arg4[%run_scoped3A, %add3A_31, %dma_wait3A_121, %dma_wait3A_122] : memref<2x160x25x80xi32, #tpu.memory_space<hbm>> -> memref<1x1x25x80xi32, #tpu.memory_space<hbm>>
        %dma_wait3A_124 = tpu.memref_squeeze %dma_wait3A_123 : memref<1x1x25x80xi32, #tpu.memory_space<hbm>> -> memref<25x80xi32, #tpu.memory_space<hbm>>
        %dma_wait3A_125 = arith.constant 0 : i32
        %dma_wait3A_126 = arith.constant 0 : i32
        %dma_wait3A_127 = tpu.memref_slice %arg4[%run_scoped3A, %add3A_31, %dma_wait3A_125, %dma_wait3A_126] : memref<2x160x25x80xi32, #tpu.memory_space<hbm>> -> memref<1x1x25x80xi32, #tpu.memory_space<hbm>>
        %dma_wait3A_128 = tpu.memref_squeeze %dma_wait3A_127 : memref<1x1x25x80xi32, #tpu.memory_space<hbm>> -> memref<25x80xi32, #tpu.memory_space<hbm>>
        tpu.wait_dma2 semaphore(%run_scoped3A_112 : memref<!tpu.dma_semaphore, #tpu.memory_space<semaphore_mem>>) src(%dma_wait3A_128 : memref<25x80xi32, #tpu.memory_space<hbm>>) dst(%arg7 : memref<25x80xi32, #tpu.memory_space<vmem>>)
        tpu.yield
      }) : () -> ()
      %add3A_32 = arith.addi %mul3A_10, %add3A_30 : i32
      %run_scoped3A_33 = arith.constant 1 : i32
      "tpu.region"() ({
        %run_scoped3A_112 = tpu.sem_alloc : memref<!tpu.dma_semaphore, #tpu.memory_space<semaphore_mem>>
        %dma_start3A_113 = arith.constant 0 : i32
        %dma_start3A_114 = arith.constant 0 : i32
        %dma_start3A_115 = tpu.memref_slice %arg4[%run_scoped3A_33, %add3A_32, %dma_start3A_113, %dma_start3A_114] : memref<2x160x25x80xi32, #tpu.memory_space<hbm>> -> memref<1x1x25x80xi32, #tpu.memory_space<hbm>>
        %dma_start3A_116 = tpu.memref_squeeze %dma_start3A_115 : memref<1x1x25x80xi32, #tpu.memory_space<hbm>> -> memref<25x80xi32, #tpu.memory_space<hbm>>
        %dma_start3A_117 = arith.constant 0 : i32
        %dma_start3A_118 = arith.constant 0 : i32
        %dma_start3A_119 = tpu.memref_slice %arg4[%run_scoped3A_33, %add3A_32, %dma_start3A_117, %dma_start3A_118] : memref<2x160x25x80xi32, #tpu.memory_space<hbm>> -> memref<1x1x25x80xi32, #tpu.memory_space<hbm>>
        %dma_start3A_120 = tpu.memref_squeeze %dma_start3A_119 : memref<1x1x25x80xi32, #tpu.memory_space<hbm>> -> memref<25x80xi32, #tpu.memory_space<hbm>>
        tpu.enqueue_dma source(%dma_start3A_120 : memref<25x80xi32, #tpu.memory_space<hbm>>) target(%arg8 : memref<25x80xi32, #tpu.memory_space<vmem>>) target_semaphore(%run_scoped3A_112 : memref<!tpu.dma_semaphore, #tpu.memory_space<semaphore_mem>>)
        %dma_wait3A_121 = arith.constant 0 : i32
        %dma_wait3A_122 = arith.constant 0 : i32
        %dma_wait3A_123 = tpu.memref_slice %arg4[%run_scoped3A_33, %add3A_32, %dma_wait3A_121, %dma_wait3A_122] : memref<2x160x25x80xi32, #tpu.memory_space<hbm>> -> memref<1x1x25x80xi32, #tpu.memory_space<hbm>>
        %dma_wait3A_124 = tpu.memref_squeeze %dma_wait3A_123 : memref<1x1x25x80xi32, #tpu.memory_space<hbm>> -> memref<25x80xi32, #tpu.memory_space<hbm>>
        %dma_wait3A_125 = arith.constant 0 : i32
        %dma_wait3A_126 = arith.constant 0 : i32
        %dma_wait3A_127 = tpu.memref_slice %arg4[%run_scoped3A_33, %add3A_32, %dma_wait3A_125, %dma_wait3A_126] : memref<2x160x25x80xi32, #tpu.memory_space<hbm>> -> memref<1x1x25x80xi32, #tpu.memory_space<hbm>>
        %dma_wait3A_128 = tpu.memref_squeeze %dma_wait3A_127 : memref<1x1x25x80xi32, #tpu.memory_space<hbm>> -> memref<25x80xi32, #tpu.memory_space<hbm>>
        tpu.wait_dma2 semaphore(%run_scoped3A_112 : memref<!tpu.dma_semaphore, #tpu.memory_space<semaphore_mem>>) src(%dma_wait3A_128 : memref<25x80xi32, #tpu.memory_space<hbm>>) dst(%arg8 : memref<25x80xi32, #tpu.memory_space<vmem>>)
        tpu.yield
      }) : () -> ()
      %dma_start3A = arith.constant 0 : i32
      %dma_start3A_34 = arith.constant 0 : i32
      %dma_start3A_35 = arith.constant 0 : i32
      %dma_start3A_36 = arith.constant 0 : i32
      %dma_start3A_37 = arith.constant 0 : i32
      %dma_start3A_38 = tpu.memref_slice %arg9[%dma_start3A_34, %dma_start3A_36, %dma_start3A_37] : memref<3x80x128xf32, #tpu.memory_space<vmem>> -> memref<1x80x128xf32, #tpu.memory_space<vmem>>
      %dma_start3A_39 = tpu.memref_squeeze %dma_start3A_38 : memref<1x80x128xf32, #tpu.memory_space<vmem>> -> memref<80x128xf32, #tpu.memory_space<vmem>>
      %dma_start3A_40 = arith.constant 0 : i32
      %dma_start3A_41 = tpu.memref_slice %arg7[%dma_start3A, %dma_start3A_40] : memref<25x80xi32, #tpu.memory_space<vmem>> -> memref<1x80xi32, #tpu.memory_space<vmem>>
      %dma_start3A_42 = tpu.memref_squeeze %dma_start3A_41 : memref<1x80xi32, #tpu.memory_space<vmem>> -> memref<80xi32, #tpu.memory_space<vmem>>
      %dma_start3A_43 = arith.constant 0 : i32
      %dma_start3A_44 = arith.constant 0 : i32
      %dma_start3A_45 = tpu.memref_slice %arg2[%dma_start3A_43, %dma_start3A_44] : memref<10000x128xf32, #tpu.memory_space<hbm>> -> memref<10000x128xf32, #tpu.memory_space<hbm>>
      %dma_start3A_46 = tpu.memref_slice %arg10[%dma_start3A_35] : memref<3x!tpu.dma_semaphore, #tpu.memory_space<semaphore_mem>> -> memref<1x!tpu.dma_semaphore, #tpu.memory_space<semaphore_mem>>
      %dma_start3A_47 = tpu.memref_squeeze %dma_start3A_46 : memref<1x!tpu.dma_semaphore, #tpu.memory_space<semaphore_mem>> -> memref<!tpu.dma_semaphore, #tpu.memory_space<semaphore_mem>>
      tpu.enqueue_indirect_dma source(%dma_start3A_45 : memref<10000x128xf32, #tpu.memory_space<hbm>>) target(%dma_start3A_39 : memref<80x128xf32, #tpu.memory_space<vmem>>) offsets(%dma_start3A_42 : memref<80xi32, #tpu.memory_space<vmem>>) semaphore(%dma_start3A_47 : memref<!tpu.dma_semaphore, #tpu.memory_space<semaphore_mem>>)
      %dma_start3A_48 = arith.constant 1 : i32
      %dma_start3A_49 = arith.constant 1 : i32
      %dma_start3A_50 = arith.constant 1 : i32
      %dma_start3A_51 = arith.constant 0 : i32
      %dma_start3A_52 = arith.constant 0 : i32
      %dma_start3A_53 = tpu.memref_slice %arg9[%dma_start3A_49, %dma_start3A_51, %dma_start3A_52] : memref<3x80x128xf32, #tpu.memory_space<vmem>> -> memref<1x80x128xf32, #tpu.memory_space<vmem>>
      %dma_start3A_54 = tpu.memref_squeeze %dma_start3A_53 : memref<1x80x128xf32, #tpu.memory_space<vmem>> -> memref<80x128xf32, #tpu.memory_space<vmem>>
      %dma_start3A_55 = arith.constant 0 : i32
      %dma_start3A_56 = tpu.memref_slice %arg7[%dma_start3A_48, %dma_start3A_55] : memref<25x80xi32, #tpu.memory_space<vmem>> -> memref<1x80xi32, #tpu.memory_space<vmem>>
      %dma_start3A_57 = tpu.memref_squeeze %dma_start3A_56 : memref<1x80xi32, #tpu.memory_space<vmem>> -> memref<80xi32, #tpu.memory_space<vmem>>
      %dma_start3A_58 = arith.constant 0 : i32
      %dma_start3A_59 = arith.constant 0 : i32
      %dma_start3A_60 = tpu.memref_slice %arg2[%dma_start3A_58, %dma_start3A_59] : memref<10000x128xf32, #tpu.memory_space<hbm>> -> memref<10000x128xf32, #tpu.memory_space<hbm>>
      %dma_start3A_61 = tpu.memref_slice %arg10[%dma_start3A_50] : memref<3x!tpu.dma_semaphore, #tpu.memory_space<semaphore_mem>> -> memref<1x!tpu.dma_semaphore, #tpu.memory_space<semaphore_mem>>
      %dma_start3A_62 = tpu.memref_squeeze %dma_start3A_61 : memref<1x!tpu.dma_semaphore, #tpu.memory_space<semaphore_mem>> -> memref<!tpu.dma_semaphore, #tpu.memory_space<semaphore_mem>>
      tpu.enqueue_indirect_dma source(%dma_start3A_60 : memref<10000x128xf32, #tpu.memory_space<hbm>>) target(%dma_start3A_54 : memref<80x128xf32, #tpu.memory_space<vmem>>) offsets(%dma_start3A_57 : memref<80xi32, #tpu.memory_space<vmem>>) semaphore(%dma_start3A_62 : memref<!tpu.dma_semaphore, #tpu.memory_space<semaphore_mem>>)
      %scan3A_63 = arith.constant 0 : i32
      %scan3A_64 = arith.constant 25 : i32
      %scan3A_65 = arith.addi %scan3A_63, %scan3A_64 : i32
      %scan3A_66 = arith.constant 1 : i32
      scf.for %scan3A_112 = %scan3A_63 to %scan3A_65 step %scan3A_66  : i32 {
        %mul3A_113 = arith.constant 1 : i32
        %mul3A_114 = arith.muli %scan3A_112, %mul3A_113 : i32
        %add3A_115 = arith.constant 0 : i32
        %add3A_116 = arith.addi %add3A_115, %mul3A_114 : i32
        %rem3A = arith.constant 3 : i32
        %rem3A_117 = arith.remsi %add3A_116, %rem3A : i32
        %dma_wait3A_118 = arith.constant 0 : i32
        %dma_wait3A_119 = arith.constant 0 : i32
        %dma_wait3A_120 = tpu.memref_slice %arg9[%rem3A_117, %dma_wait3A_118, %dma_wait3A_119] : memref<3x80x128xf32, #tpu.memory_space<vmem>> -> memref<1x80x128xf32, #tpu.memory_space<vmem>>
        %dma_wait3A_121 = tpu.memref_squeeze %dma_wait3A_120 : memref<1x80x128xf32, #tpu.memory_space<vmem>> -> memref<80x128xf32, #tpu.memory_space<vmem>>
        %dma_wait3A_122 = arith.constant 0 : i32
        %dma_wait3A_123 = tpu.memref_slice %arg7[%add3A_116, %dma_wait3A_122] : memref<25x80xi32, #tpu.memory_space<vmem>> -> memref<1x80xi32, #tpu.memory_space<vmem>>
        %dma_wait3A_124 = tpu.memref_squeeze %dma_wait3A_123 : memref<1x80xi32, #tpu.memory_space<vmem>> -> memref<80xi32, #tpu.memory_space<vmem>>
        %dma_wait3A_125 = arith.constant 0 : i32
        %dma_wait3A_126 = arith.constant 0 : i32
        %dma_wait3A_127 = tpu.memref_slice %arg2[%dma_wait3A_125, %dma_wait3A_126] : memref<10000x128xf32, #tpu.memory_space<hbm>> -> memref<10000x128xf32, #tpu.memory_space<hbm>>
        %dma_wait3A_128 = tpu.memref_slice %arg10[%rem3A_117] : memref<3x!tpu.dma_semaphore, #tpu.memory_space<semaphore_mem>> -> memref<1x!tpu.dma_semaphore, #tpu.memory_space<semaphore_mem>>
        %dma_wait3A_129 = tpu.memref_squeeze %dma_wait3A_128 : memref<1x!tpu.dma_semaphore, #tpu.memory_space<semaphore_mem>> -> memref<!tpu.dma_semaphore, #tpu.memory_space<semaphore_mem>>
        tpu.wait_indirect_dma semaphore(%dma_wait3A_129 : memref<!tpu.dma_semaphore, #tpu.memory_space<semaphore_mem>>) src(%dma_wait3A_127 : memref<10000x128xf32, #tpu.memory_space<hbm>>) dst(%dma_wait3A_121 : memref<80x128xf32, #tpu.memory_space<vmem>>)
        %dma_start3A_130 = arith.constant 0 : i32
        %dma_start3A_131 = arith.constant 0 : i32
        %dma_start3A_132 = tpu.memref_slice %arg9[%rem3A_117, %dma_start3A_130, %dma_start3A_131] : memref<3x80x128xf32, #tpu.memory_space<vmem>> -> memref<1x80x128xf32, #tpu.memory_space<vmem>>
        %dma_start3A_133 = tpu.memref_squeeze %dma_start3A_132 : memref<1x80x128xf32, #tpu.memory_space<vmem>> -> memref<80x128xf32, #tpu.memory_space<vmem>>
        %dma_start3A_134 = arith.constant 0 : i32
        %dma_start3A_135 = tpu.memref_slice %arg8[%add3A_116, %dma_start3A_134] : memref<25x80xi32, #tpu.memory_space<vmem>> -> memref<1x80xi32, #tpu.memory_space<vmem>>
        %dma_start3A_136 = tpu.memref_squeeze %dma_start3A_135 : memref<1x80xi32, #tpu.memory_space<vmem>> -> memref<80xi32, #tpu.memory_space<vmem>>
        %dma_start3A_137 = arith.constant 0 : i32
        %dma_start3A_138 = arith.constant 0 : i32
        %dma_start3A_139 = tpu.memref_slice %arg6[%dma_start3A_137, %dma_start3A_138] : memref<10000x128xf32, #tpu.memory_space<vmem_shared>> -> memref<10000x128xf32, #tpu.memory_space<vmem_shared>>
        %dma_start3A_140 = tpu.memref_slice %arg11[%rem3A_117] : memref<3x!tpu.dma_semaphore, #tpu.memory_space<semaphore_mem>> -> memref<1x!tpu.dma_semaphore, #tpu.memory_space<semaphore_mem>>
        %dma_start3A_141 = tpu.memref_squeeze %dma_start3A_140 : memref<1x!tpu.dma_semaphore, #tpu.memory_space<semaphore_mem>> -> memref<!tpu.dma_semaphore, #tpu.memory_space<semaphore_mem>>
        tpu.enqueue_indirect_dma source(%dma_start3A_133 : memref<80x128xf32, #tpu.memory_space<vmem>>) target(%dma_start3A_139 : memref<10000x128xf32, #tpu.memory_space<vmem_shared>>) offsets(%dma_start3A_136 : memref<80xi32, #tpu.memory_space<vmem>>) semaphore(%dma_start3A_141 : memref<!tpu.dma_semaphore, #tpu.memory_space<semaphore_mem>>) {add = true}
        %add3A_142 = arith.constant 2 : i32
        %add3A_143 = arith.addi %add3A_116, %add3A_142 : i32
        %lt3A_144 = arith.constant 25 : i32
        %lt3A_145 = arith.cmpi slt, %add3A_143, %lt3A_144 : i32
        %convert_element_type3A_146 = arith.extui %lt3A_145 : i1 to i32
        %cond3A_147 = arith.constant 0 : i32
        %cond3A_148 = arith.cmpi ne, %convert_element_type3A_146, %cond3A_147 : i32
        scf.if %cond3A_148 {
          %add3A_149 = arith.constant 2 : i32
          %add3A_150 = arith.addi %add3A_116, %add3A_149 : i32
          %rem3A_151 = arith.constant 3 : i32
          %rem3A_152 = arith.remsi %add3A_150, %rem3A_151 : i32
          %gt3A = arith.constant 0 : i32
          %gt3A_153 = arith.cmpi sgt, %add3A_116, %gt3A : i32
          %convert_element_type3A_154 = arith.extui %gt3A_153 : i1 to i32
          %cond3A_155 = arith.constant 0 : i32
          %cond3A_156 = arith.cmpi ne, %convert_element_type3A_154, %cond3A_155 : i32
          scf.if %cond3A_156 {
            %dma_wait3A_171 = arith.constant 0 : i32
            %dma_wait3A_172 = arith.constant 0 : i32
            %dma_wait3A_173 = tpu.memref_slice %arg9[%rem3A_152, %dma_wait3A_171, %dma_wait3A_172] : memref<3x80x128xf32, #tpu.memory_space<vmem>> -> memref<1x80x128xf32, #tpu.memory_space<vmem>>
            %dma_wait3A_174 = tpu.memref_squeeze %dma_wait3A_173 : memref<1x80x128xf32, #tpu.memory_space<vmem>> -> memref<80x128xf32, #tpu.memory_space<vmem>>
            %dma_wait3A_175 = arith.constant 0 : i32
            %dma_wait3A_176 = tpu.memref_slice %arg8[%add3A_116, %dma_wait3A_175] : memref<25x80xi32, #tpu.memory_space<vmem>> -> memref<1x80xi32, #tpu.memory_space<vmem>>
            %dma_wait3A_177 = tpu.memref_squeeze %dma_wait3A_176 : memref<1x80xi32, #tpu.memory_space<vmem>> -> memref<80xi32, #tpu.memory_space<vmem>>
            %dma_wait3A_178 = arith.constant 0 : i32
            %dma_wait3A_179 = arith.constant 0 : i32
            %dma_wait3A_180 = tpu.memref_slice %arg6[%dma_wait3A_178, %dma_wait3A_179] : memref<10000x128xf32, #tpu.memory_space<vmem_shared>> -> memref<10000x128xf32, #tpu.memory_space<vmem_shared>>
            %dma_wait3A_181 = tpu.memref_slice %arg11[%rem3A_152] : memref<3x!tpu.dma_semaphore, #tpu.memory_space<semaphore_mem>> -> memref<1x!tpu.dma_semaphore, #tpu.memory_space<semaphore_mem>>
            %dma_wait3A_182 = tpu.memref_squeeze %dma_wait3A_181 : memref<1x!tpu.dma_semaphore, #tpu.memory_space<semaphore_mem>> -> memref<!tpu.dma_semaphore, #tpu.memory_space<semaphore_mem>>
            tpu.wait_indirect_dma semaphore(%dma_wait3A_182 : memref<!tpu.dma_semaphore, #tpu.memory_space<semaphore_mem>>) src(%dma_wait3A_174 : memref<80x128xf32, #tpu.memory_space<vmem>>) dst(%dma_wait3A_180 : memref<10000x128xf32, #tpu.memory_space<vmem_shared>>)
          } else {
          }
          %add3A_157 = arith.constant 2 : i32
          %add3A_158 = arith.addi %add3A_116, %add3A_157 : i32
          %dma_start3A_159 = arith.constant 0 : i32
          %dma_start3A_160 = arith.constant 0 : i32
          %dma_start3A_161 = tpu.memref_slice %arg9[%rem3A_152, %dma_start3A_159, %dma_start3A_160] : memref<3x80x128xf32, #tpu.memory_space<vmem>> -> memref<1x80x128xf32, #tpu.memory_space<vmem>>
          %dma_start3A_162 = tpu.memref_squeeze %dma_start3A_161 : memref<1x80x128xf32, #tpu.memory_space<vmem>> -> memref<80x128xf32, #tpu.memory_space<vmem>>
          %dma_start3A_163 = arith.constant 0 : i32
          %dma_start3A_164 = tpu.memref_slice %arg7[%add3A_158, %dma_start3A_163] : memref<25x80xi32, #tpu.memory_space<vmem>> -> memref<1x80xi32, #tpu.memory_space<vmem>>
          %dma_start3A_165 = tpu.memref_squeeze %dma_start3A_164 : memref<1x80xi32, #tpu.memory_space<vmem>> -> memref<80xi32, #tpu.memory_space<vmem>>
          %dma_start3A_166 = arith.constant 0 : i32
          %dma_start3A_167 = arith.constant 0 : i32
          %dma_start3A_168 = tpu.memref_slice %arg2[%dma_start3A_166, %dma_start3A_167] : memref<10000x128xf32, #tpu.memory_space<hbm>> -> memref<10000x128xf32, #tpu.memory_space<hbm>>
          %dma_start3A_169 = tpu.memref_slice %arg10[%rem3A_152] : memref<3x!tpu.dma_semaphore, #tpu.memory_space<semaphore_mem>> -> memref<1x!tpu.dma_semaphore, #tpu.memory_space<semaphore_mem>>
          %dma_start3A_170 = tpu.memref_squeeze %dma_start3A_169 : memref<1x!tpu.dma_semaphore, #tpu.memory_space<semaphore_mem>> -> memref<!tpu.dma_semaphore, #tpu.memory_space<semaphore_mem>>
          tpu.enqueue_indirect_dma source(%dma_start3A_168 : memref<10000x128xf32, #tpu.memory_space<hbm>>) target(%dma_start3A_162 : memref<80x128xf32, #tpu.memory_space<vmem>>) offsets(%dma_start3A_165 : memref<80xi32, #tpu.memory_space<vmem>>) semaphore(%dma_start3A_170 : memref<!tpu.dma_semaphore, #tpu.memory_space<semaphore_mem>>)
        } else {
        }
      }
      %scan3A_67 = arith.constant 25 : i32
      %dma_wait3A = arith.constant 1 : i32
      %dma_wait3A_68 = arith.constant 22 : i32
      %dma_wait3A_69 = arith.constant 1 : i32
      %dma_wait3A_70 = arith.constant 0 : i32
      %dma_wait3A_71 = arith.constant 0 : i32
      %dma_wait3A_72 = tpu.memref_slice %arg9[%dma_wait3A, %dma_wait3A_70, %dma_wait3A_71] : memref<3x80x128xf32, #tpu.memory_space<vmem>> -> memref<1x80x128xf32, #tpu.memory_space<vmem>>
      %dma_wait3A_73 = tpu.memref_squeeze %dma_wait3A_72 : memref<1x80x128xf32, #tpu.memory_space<vmem>> -> memref<80x128xf32, #tpu.memory_space<vmem>>
      %dma_wait3A_74 = arith.constant 0 : i32
      %dma_wait3A_75 = tpu.memref_slice %arg8[%dma_wait3A_68, %dma_wait3A_74] : memref<25x80xi32, #tpu.memory_space<vmem>> -> memref<1x80xi32, #tpu.memory_space<vmem>>
      %dma_wait3A_76 = tpu.memref_squeeze %dma_wait3A_75 : memref<1x80xi32, #tpu.memory_space<vmem>> -> memref<80xi32, #tpu.memory_space<vmem>>
      %dma_wait3A_77 = arith.constant 0 : i32
      %dma_wait3A_78 = arith.constant 0 : i32
      %dma_wait3A_79 = tpu.memref_slice %arg6[%dma_wait3A_77, %dma_wait3A_78] : memref<10000x128xf32, #tpu.memory_space<vmem_shared>> -> memref<10000x128xf32, #tpu.memory_space<vmem_shared>>
      %dma_wait3A_80 = tpu.memref_slice %arg11[%dma_wait3A_69] : memref<3x!tpu.dma_semaphore, #tpu.memory_space<semaphore_mem>> -> memref<1x!tpu.dma_semaphore, #tpu.memory_space<semaphore_mem>>
      %dma_wait3A_81 = tpu.memref_squeeze %dma_wait3A_80 : memref<1x!tpu.dma_semaphore, #tpu.memory_space<semaphore_mem>> -> memref<!tpu.dma_semaphore, #tpu.memory_space<semaphore_mem>>
      tpu.wait_indirect_dma semaphore(%dma_wait3A_81 : memref<!tpu.dma_semaphore, #tpu.memory_space<semaphore_mem>>) src(%dma_wait3A_73 : memref<80x128xf32, #tpu.memory_space<vmem>>) dst(%dma_wait3A_79 : memref<10000x128xf32, #tpu.memory_space<vmem_shared>>)
      %dma_wait3A_82 = arith.constant 2 : i32
      %dma_wait3A_83 = arith.constant 23 : i32
      %dma_wait3A_84 = arith.constant 2 : i32
      %dma_wait3A_85 = arith.constant 0 : i32
      %dma_wait3A_86 = arith.constant 0 : i32
      %dma_wait3A_87 = tpu.memref_slice %arg9[%dma_wait3A_82, %dma_wait3A_85, %dma_wait3A_86] : memref<3x80x128xf32, #tpu.memory_space<vmem>> -> memref<1x80x128xf32, #tpu.memory_space<vmem>>
      %dma_wait3A_88 = tpu.memref_squeeze %dma_wait3A_87 : memref<1x80x128xf32, #tpu.memory_space<vmem>> -> memref<80x128xf32, #tpu.memory_space<vmem>>
      %dma_wait3A_89 = arith.constant 0 : i32
      %dma_wait3A_90 = tpu.memref_slice %arg8[%dma_wait3A_83, %dma_wait3A_89] : memref<25x80xi32, #tpu.memory_space<vmem>> -> memref<1x80xi32, #tpu.memory_space<vmem>>
      %dma_wait3A_91 = tpu.memref_squeeze %dma_wait3A_90 : memref<1x80xi32, #tpu.memory_space<vmem>> -> memref<80xi32, #tpu.memory_space<vmem>>
      %dma_wait3A_92 = arith.constant 0 : i32
      %dma_wait3A_93 = arith.constant 0 : i32
      %dma_wait3A_94 = tpu.memref_slice %arg6[%dma_wait3A_92, %dma_wait3A_93] : memref<10000x128xf32, #tpu.memory_space<vmem_shared>> -> memref<10000x128xf32, #tpu.memory_space<vmem_shared>>
      %dma_wait3A_95 = tpu.memref_slice %arg11[%dma_wait3A_84] : memref<3x!tpu.dma_semaphore, #tpu.memory_space<semaphore_mem>> -> memref<1x!tpu.dma_semaphore, #tpu.memory_space<semaphore_mem>>
      %dma_wait3A_96 = tpu.memref_squeeze %dma_wait3A_95 : memref<1x!tpu.dma_semaphore, #tpu.memory_space<semaphore_mem>> -> memref<!tpu.dma_semaphore, #tpu.memory_space<semaphore_mem>>
      tpu.wait_indirect_dma semaphore(%dma_wait3A_96 : memref<!tpu.dma_semaphore, #tpu.memory_space<semaphore_mem>>) src(%dma_wait3A_88 : memref<80x128xf32, #tpu.memory_space<vmem>>) dst(%dma_wait3A_94 : memref<10000x128xf32, #tpu.memory_space<vmem_shared>>)
      %dma_wait3A_97 = arith.constant 0 : i32
      %dma_wait3A_98 = arith.constant 24 : i32
      %dma_wait3A_99 = arith.constant 0 : i32
      %dma_wait3A_100 = arith.constant 0 : i32
      %dma_wait3A_101 = arith.constant 0 : i32
      %dma_wait3A_102 = tpu.memref_slice %arg9[%dma_wait3A_97, %dma_wait3A_100, %dma_wait3A_101] : memref<3x80x128xf32, #tpu.memory_space<vmem>> -> memref<1x80x128xf32, #tpu.memory_space<vmem>>
      %dma_wait3A_103 = tpu.memref_squeeze %dma_wait3A_102 : memref<1x80x128xf32, #tpu.memory_space<vmem>> -> memref<80x128xf32, #tpu.memory_space<vmem>>
      %dma_wait3A_104 = arith.constant 0 : i32
      %dma_wait3A_105 = tpu.memref_slice %arg8[%dma_wait3A_98, %dma_wait3A_104] : memref<25x80xi32, #tpu.memory_space<vmem>> -> memref<1x80xi32, #tpu.memory_space<vmem>>
      %dma_wait3A_106 = tpu.memref_squeeze %dma_wait3A_105 : memref<1x80xi32, #tpu.memory_space<vmem>> -> memref<80xi32, #tpu.memory_space<vmem>>
      %dma_wait3A_107 = arith.constant 0 : i32
      %dma_wait3A_108 = arith.constant 0 : i32
      %dma_wait3A_109 = tpu.memref_slice %arg6[%dma_wait3A_107, %dma_wait3A_108] : memref<10000x128xf32, #tpu.memory_space<vmem_shared>> -> memref<10000x128xf32, #tpu.memory_space<vmem_shared>>
      %dma_wait3A_110 = tpu.memref_slice %arg11[%dma_wait3A_99] : memref<3x!tpu.dma_semaphore, #tpu.memory_space<semaphore_mem>> -> memref<1x!tpu.dma_semaphore, #tpu.memory_space<semaphore_mem>>
      %dma_wait3A_111 = tpu.memref_squeeze %dma_wait3A_110 : memref<1x!tpu.dma_semaphore, #tpu.memory_space<semaphore_mem>> -> memref<!tpu.dma_semaphore, #tpu.memory_space<semaphore_mem>>
      tpu.wait_indirect_dma semaphore(%dma_wait3A_111 : memref<!tpu.dma_semaphore, #tpu.memory_space<semaphore_mem>>) src(%dma_wait3A_103 : memref<80x128xf32, #tpu.memory_space<vmem>>) dst(%dma_wait3A_109 : memref<10000x128xf32, #tpu.memory_space<vmem_shared>>)
    }
    %scan3A_14 = arith.constant 5 : i32
    %barrier3A_15 = arith.constant 0 : index
    tpu.barrier barrier_id(%barrier3A_15)
    %lt3A_16 = arith.constant 15 : i32
    %lt3A_17 = arith.cmpi slt, %arg1, %lt3A_16 : i32
    %convert_element_type3A_18 = arith.extui %lt3A_17 : i1 to i32
    %cond3A_19 = arith.constant 0 : i32
    %cond3A_20 = arith.cmpi ne, %convert_element_type3A_18, %cond3A_19 : i32
    scf.if %cond3A_20 {
      "tpu.region"() ({
        %run_scoped3A = tpu.sem_alloc : memref<!tpu.dma_semaphore, #tpu.memory_space<semaphore_mem>>
        %dma_start3A = arith.constant 0 : i32
        %dma_start3A_26 = tpu.memref_slice %arg5[%arg0, %multiple_of3A, %dma_start3A] : memref<2x10000x128xf32, #tpu.memory_space<hbm>> -> memref<1x624x128xf32, #tpu.memory_space<hbm>>
        %dma_start3A_27 = tpu.memref_squeeze %dma_start3A_26 : memref<1x624x128xf32, #tpu.memory_space<hbm>> -> memref<624x128xf32, #tpu.memory_space<hbm>>
        %dma_start3A_28 = arith.constant 0 : i32
        %dma_start3A_29 = tpu.memref_slice %arg6[%multiple_of3A, %dma_start3A_28] : memref<10000x128xf32, #tpu.memory_space<vmem_shared>> -> memref<624x128xf32, #tpu.memory_space<vmem_shared>>
        tpu.enqueue_dma source(%dma_start3A_29 : memref<624x128xf32, #tpu.memory_space<vmem_shared>>) target(%dma_start3A_27 : memref<624x128xf32, #tpu.memory_space<hbm>>) target_semaphore(%run_scoped3A : memref<!tpu.dma_semaphore, #tpu.memory_space<semaphore_mem>>)
        %dma_wait3A = arith.constant 0 : i32
        %dma_wait3A_30 = tpu.memref_slice %arg5[%arg0, %multiple_of3A, %dma_wait3A] : memref<2x10000x128xf32, #tpu.memory_space<hbm>> -> memref<1x624x128xf32, #tpu.memory_space<hbm>>
        %dma_wait3A_31 = tpu.memref_squeeze %dma_wait3A_30 : memref<1x624x128xf32, #tpu.memory_space<hbm>> -> memref<624x128xf32, #tpu.memory_space<hbm>>
        %dma_wait3A_32 = arith.constant 0 : i32
        %dma_wait3A_33 = tpu.memref_slice %arg6[%multiple_of3A, %dma_wait3A_32] : memref<10000x128xf32, #tpu.memory_space<vmem_shared>> -> memref<624x128xf32, #tpu.memory_space<vmem_shared>>
        tpu.wait_dma2 semaphore(%run_scoped3A : memref<!tpu.dma_semaphore, #tpu.memory_space<semaphore_mem>>) src(%dma_wait3A_33 : memref<624x128xf32, #tpu.memory_space<vmem_shared>>) dst(%dma_wait3A_31 : memref<624x128xf32, #tpu.memory_space<hbm>>)
        tpu.yield
      }) : () -> ()
    } else {
    }
    %eq3A_21 = arith.constant 15 : i32
    %eq3A_22 = arith.cmpi eq, %arg1, %eq3A_21 : i32
    %convert_element_type3A_23 = arith.extui %eq3A_22 : i1 to i32
    %cond3A_24 = arith.constant 0 : i32
    %cond3A_25 = arith.cmpi ne, %convert_element_type3A_23, %cond3A_24 : i32
    scf.if %cond3A_25 {
      "tpu.region"() ({
        %run_scoped3A = tpu.sem_alloc : memref<!tpu.dma_semaphore, #tpu.memory_space<semaphore_mem>>
        %dma_start3A = arith.constant 0 : i32
        %dma_start3A_26 = tpu.memref_slice %arg5[%arg0, %multiple_of3A, %dma_start3A] : memref<2x10000x128xf32, #tpu.memory_space<hbm>> -> memref<1x640x128xf32, #tpu.memory_space<hbm>>
        %dma_start3A_27 = tpu.memref_squeeze %dma_start3A_26 : memref<1x640x128xf32, #tpu.memory_space<hbm>> -> memref<640x128xf32, #tpu.memory_space<hbm>>
        %dma_start3A_28 = arith.constant 0 : i32
        %dma_start3A_29 = tpu.memref_slice %arg6[%multiple_of3A, %dma_start3A_28] : memref<10000x128xf32, #tpu.memory_space<vmem_shared>> -> memref<640x128xf32, #tpu.memory_space<vmem_shared>>
        tpu.enqueue_dma source(%dma_start3A_29 : memref<640x128xf32, #tpu.memory_space<vmem_shared>>) target(%dma_start3A_27 : memref<640x128xf32, #tpu.memory_space<hbm>>) target_semaphore(%run_scoped3A : memref<!tpu.dma_semaphore, #tpu.memory_space<semaphore_mem>>)
        %dma_wait3A = arith.constant 0 : i32
        %dma_wait3A_30 = tpu.memref_slice %arg5[%arg0, %multiple_of3A, %dma_wait3A] : memref<2x10000x128xf32, #tpu.memory_space<hbm>> -> memref<1x640x128xf32, #tpu.memory_space<hbm>>
        %dma_wait3A_31 = tpu.memref_squeeze %dma_wait3A_30 : memref<1x640x128xf32, #tpu.memory_space<hbm>> -> memref<640x128xf32, #tpu.memory_space<hbm>>
        %dma_wait3A_32 = arith.constant 0 : i32
        %dma_wait3A_33 = tpu.memref_slice %arg6[%multiple_of3A, %dma_wait3A_32] : memref<10000x128xf32, #tpu.memory_space<vmem_shared>> -> memref<640x128xf32, #tpu.memory_space<vmem_shared>>
        tpu.wait_dma2 semaphore(%run_scoped3A : memref<!tpu.dma_semaphore, #tpu.memory_space<semaphore_mem>>) src(%dma_wait3A_33 : memref<640x128xf32, #tpu.memory_space<vmem_shared>>) dst(%dma_wait3A_31 : memref<640x128xf32, #tpu.memory_space<hbm>>)
        tpu.yield
      }) : () -> ()
    } else {
    }
    return
  }
}

module attributes {stable_mosaic.version = 14 : i64} {
  func.func @_mm_body(%arg0: i32, %arg1: memref<2000x128xf32, #tpu.memory_space<vmem>>, %arg2: memref<128x256xf32, #tpu.memory_space<vmem>>, %arg3: memref<2000x256xf32, #tpu.memory_space<vmem>>) attributes {dimension_semantics = [#tpu.dimension_semantics<arbitrary>], iteration_bounds = array<i64: 5>, scalar_prefetch = 0 : i64, scratch_operands = 0 : i64, tpu.core_type = #tpu.core_type<tc>, window_params = [{transform_indices = @transform_0, window_bounds = array<i64: 2000, 128>}, {pipeline_mode = #tpu.pipeline_mode<synchronous>, transform_indices = @transform_1, window_bounds = array<i64: 128, 256>}, {transform_indices = @transform_2, window_bounds = array<i64: 2000, 256>}]} {
    %get3A = arith.constant 0 : index
    %get3A_0 = arith.constant 0 : index
    %get3A_1 = vector.load %arg1[%get3A, %get3A_0] : memref<2000x128xf32, #tpu.memory_space<vmem>>, vector<2000x128xf32>
    %get3A_2 = arith.constant 0 : index
    %get3A_3 = arith.constant 0 : index
    %get3A_4 = vector.load %arg2[%get3A_2, %get3A_3] : memref<128x256xf32, #tpu.memory_space<vmem>>, vector<128x256xf32>
    %dot_general3A = arith.constant dense<0.000000e+00> : vector<2000x256xf32>
    %dot_general3A_5 = tpu.matmul %get3A_1, %get3A_4, %dot_general3A {dimension_numbers = #tpu.dot_dimension_numbers<[1], [0], [0], [1], [0, 0, 1, 1], [], []>, precision = #tpu.contract_precision<fp32>, transpose_lhs_hint = false} : vector<2000x128xf32>, vector<128x256xf32>, vector<2000x256xf32> -> vector<2000x256xf32>
    %swap3A = arith.constant 0 : index
    %swap3A_6 = arith.constant 0 : index
    %swap3A_7 = vector.load %arg3[%swap3A, %swap3A_6] : memref<2000x256xf32, #tpu.memory_space<vmem>>, vector<2000x256xf32>
    tpu.vector_store %arg3[%swap3A, %swap3A_6], %dot_general3A_5 {strides = array<i32>} : memref<2000x256xf32, #tpu.memory_space<vmem>>, vector<2000x256xf32>,
    return
  }
  func.func @transform_0(%arg0: i32) -> (i32, i32) {
    %c0_i32 = arith.constant 0 : i32
    %c0_i32_0 = arith.constant 0 : i32
    return %arg0, %c0_i32 : i32, i32
  }
  func.func @transform_1(%arg0: i32) -> (i32, i32) {
    %c0_i32 = arith.constant 0 : i32
    %c0_i32_0 = arith.constant 0 : i32
    %c0_i32_1 = arith.constant 0 : i32
    return %c0_i32, %c0_i32_0 : i32, i32
  }
  func.func @transform_2(%arg0: i32) -> (i32, i32) {
    %c0_i32 = arith.constant 0 : i32
    %c0_i32_0 = arith.constant 0 : i32
    return %arg0, %c0_i32 : i32, i32
  }
}

module attributes {stable_mosaic.version = 14 : i64} {
  func.func @_scale_split_body(%arg0: i32, %arg1: memref<2x1x1x2000xf32, #tpu.memory_space<vmem>>, %arg2: memref<2000x256xf32, #tpu.memory_space<vmem>>, %arg3: memref<2x2000x128xf32, #tpu.memory_space<vmem>>, %arg4: memref<1x1x2000xf32, #tpu.memory_space<vmem>>) attributes {dimension_semantics = [#tpu.dimension_semantics<arbitrary>], iteration_bounds = array<i64: 5>, scalar_prefetch = 0 : i64, scratch_operands = 0 : i64, tpu.core_type = #tpu.core_type<tc>, window_params = [{transform_indices = @transform_0, window_bounds = array<i64: 2, 1, 1, 2000>}, {transform_indices = @transform_1, window_bounds = array<i64: 2000, 256>}, {transform_indices = @transform_2, window_bounds = array<i64: 2, 2000, 128>}, {transform_indices = @transform_3, window_bounds = array<i64: 1, 1, 2000>}]} {
    %get3A = arith.constant 0 : index
    %get3A_0 = arith.constant 0 : index
    %get3A_1 = arith.constant 0 : index
    %get3A_2 = arith.constant 0 : index
    %get3A_3 = vector.load %arg1[%get3A, %get3A_0, %get3A_1, %get3A_2] : memref<2x1x1x2000xf32, #tpu.memory_space<vmem>>, vector<1x1x1x2000xf32>
    %get3A_4 = vector.shape_cast %get3A_3 : vector<1x1x1x2000xf32> to vector<2000xf32>
    %get3A_5 = arith.constant 1 : index
    %get3A_6 = arith.constant 0 : index
    %get3A_7 = arith.constant 0 : index
    %get3A_8 = arith.constant 0 : index
    %get3A_9 = vector.load %arg1[%get3A_5, %get3A_6, %get3A_7, %get3A_8] : memref<2x1x1x2000xf32, #tpu.memory_space<vmem>>, vector<1x1x1x2000xf32>
    %get3A_10 = vector.shape_cast %get3A_9 : vector<1x1x1x2000xf32> to vector<2000xf32>
    %add3A = arith.addf %get3A_4, %get3A_10 : vector<2000xf32>
    %rsqrt3A = math.rsqrt %add3A : vector<2000xf32>
    %broadcast_in_dim3A = vector.shape_cast %rsqrt3A : vector<2000xf32> to vector<2000x1xf32>
    %get3A_11 = arith.constant 0 : index
    %get3A_12 = arith.constant 0 : index
    %get3A_13 = vector.load %arg2[%get3A_11, %get3A_12] : memref<2000x256xf32, #tpu.memory_space<vmem>>, vector<2000x256xf32>
    %mul3A = vector.broadcast %broadcast_in_dim3A : vector<2000x1xf32> to vector<2000x256xf32>
    %mul3A_14 = arith.mulf %mul3A, %get3A_13 : vector<2000x256xf32>
    %slice3A = vector.extract_strided_slice %mul3A_14 {offsets = [0, 0], sizes = [2000, 128], strides = [1, 1]} : vector<2000x256xf32> to vector<2000x128xf32>
    %swap3A = arith.constant 0 : index
    %swap3A_15 = arith.constant 0 : index
    %swap3A_16 = arith.constant 0 : index
    %swap3A_17 = vector.load %arg3[%swap3A, %swap3A_15, %swap3A_16] : memref<2x2000x128xf32, #tpu.memory_space<vmem>>, vector<1x2000x128xf32>
    %swap3A_18 = vector.shape_cast %swap3A_17 : vector<1x2000x128xf32> to vector<2000x128xf32>
    %swap3A_19 = vector.shape_cast %slice3A : vector<2000x128xf32> to vector<1x2000x128xf32>
    tpu.vector_store %arg3[%swap3A, %swap3A_15, %swap3A_16], %swap3A_19 {strides = array<i32>} : memref<2x2000x128xf32, #tpu.memory_space<vmem>>, vector<1x2000x128xf32>,
    %slice3A_20 = vector.extract_strided_slice %mul3A_14 {offsets = [0, 128], sizes = [2000, 128], strides = [1, 1]} : vector<2000x256xf32> to vector<2000x128xf32>
    %swap3A_21 = arith.constant 1 : index
    %swap3A_22 = arith.constant 0 : index
    %swap3A_23 = arith.constant 0 : index
    %swap3A_24 = vector.load %arg3[%swap3A_21, %swap3A_22, %swap3A_23] : memref<2x2000x128xf32, #tpu.memory_space<vmem>>, vector<1x2000x128xf32>
    %swap3A_25 = vector.shape_cast %swap3A_24 : vector<1x2000x128xf32> to vector<2000x128xf32>
    %swap3A_26 = vector.shape_cast %slice3A_20 : vector<2000x128xf32> to vector<1x2000x128xf32>
    tpu.vector_store %arg3[%swap3A_21, %swap3A_22, %swap3A_23], %swap3A_26 {strides = array<i32>} : memref<2x2000x128xf32, #tpu.memory_space<vmem>>, vector<1x2000x128xf32>,
    %swap3A_27 = arith.constant 0 : index
    %swap3A_28 = arith.constant 0 : index
    %swap3A_29 = arith.constant 0 : index
    %swap3A_30 = vector.load %arg4[%swap3A_27, %swap3A_28, %swap3A_29] : memref<1x1x2000xf32, #tpu.memory_space<vmem>>, vector<1x1x2000xf32>
    %swap3A_31 = vector.shape_cast %swap3A_30 : vector<1x1x2000xf32> to vector<2000xf32>
    %swap3A_32 = vector.shape_cast %rsqrt3A : vector<2000xf32> to vector<1x1x2000xf32>
    tpu.vector_store %arg4[%swap3A_27, %swap3A_28, %swap3A_29], %swap3A_32 {strides = array<i32>} : memref<1x1x2000xf32, #tpu.memory_space<vmem>>, vector<1x1x2000xf32>,
    return
  }
  func.func @transform_0(%arg0: i32) -> (i32, i32, i32, i32) {
    %c0_i32 = arith.constant 0 : i32
    %c0_i32_0 = arith.constant 0 : i32
    %c0_i32_1 = arith.constant 0 : i32
    %c0_i32_2 = arith.constant 0 : i32
    return %c0_i32, %arg0, %c0_i32_0, %c0_i32_1 : i32, i32, i32, i32
  }
  func.func @transform_1(%arg0: i32) -> (i32, i32) {
    %c0_i32 = arith.constant 0 : i32
    %c0_i32_0 = arith.constant 0 : i32
    return %arg0, %c0_i32 : i32, i32
  }
  func.func @transform_2(%arg0: i32) -> (i32, i32, i32) {
    %c0_i32 = arith.constant 0 : i32
    %c0_i32_0 = arith.constant 0 : i32
    %c0_i32_1 = arith.constant 0 : i32
    return %c0_i32, %arg0, %c0_i32_0 : i32, i32, i32
  }
  func.func @transform_3(%arg0: i32) -> (i32, i32, i32) {
    %c0_i32 = arith.constant 0 : i32
    %c0_i32_0 = arith.constant 0 : i32
    %c0_i32_1 = arith.constant 0 : i32
    return %arg0, %c0_i32, %c0_i32_0 : i32, i32, i32
  }
}

module attributes {stable_mosaic.version = 14 : i64} {
  func.func @_mid_body(%arg0: i32, %arg1: memref<2x2000x128xf32, #tpu.memory_space<vmem>>, %arg2: memref<1x1x2000xf32, #tpu.memory_space<vmem>>, %arg3: memref<256xf32, #tpu.memory_space<vmem>>, %arg4: memref<256x128xf32, #tpu.memory_space<vmem>>, %arg5: memref<2000x128xf32, #tpu.memory_space<vmem>>) attributes {dimension_semantics = [#tpu.dimension_semantics<arbitrary>], iteration_bounds = array<i64: 5>, scalar_prefetch = 0 : i64, scratch_operands = 0 : i64, tpu.core_type = #tpu.core_type<tc>, window_params = [{transform_indices = @transform_0, window_bounds = array<i64: 2, 2000, 128>}, {transform_indices = @transform_1, window_bounds = array<i64: 1, 1, 2000>}, {pipeline_mode = #tpu.pipeline_mode<synchronous>, transform_indices = @transform_2, window_bounds = array<i64: 256>}, {pipeline_mode = #tpu.pipeline_mode<synchronous>, transform_indices = @transform_3, window_bounds = array<i64: 256, 128>}, {transform_indices = @transform_4, window_bounds = array<i64: 2000, 128>}]} {
    %get3A = arith.constant 0 : index
    %get3A_0 = arith.constant 0 : index
    %get3A_1 = arith.constant 0 : index
    %get3A_2 = vector.load %arg2[%get3A, %get3A_0, %get3A_1] : memref<1x1x2000xf32, #tpu.memory_space<vmem>>, vector<1x1x2000xf32>
    %get3A_3 = vector.shape_cast %get3A_2 : vector<1x1x2000xf32> to vector<2000xf32>
    %get3A_4 = arith.constant 0 : index
    %get3A_5 = arith.constant 0 : index
    %get3A_6 = arith.constant 0 : index
    %get3A_7 = vector.load %arg1[%get3A_4, %get3A_5, %get3A_6] : memref<2x2000x128xf32, #tpu.memory_space<vmem>>, vector<1x2000x128xf32>
    %get3A_8 = vector.shape_cast %get3A_7 : vector<1x2000x128xf32> to vector<2000x128xf32>
    %get3A_9 = arith.constant 1 : index
    %get3A_10 = arith.constant 0 : index
    %get3A_11 = arith.constant 0 : index
    %get3A_12 = vector.load %arg1[%get3A_9, %get3A_10, %get3A_11] : memref<2x2000x128xf32, #tpu.memory_space<vmem>>, vector<1x2000x128xf32>
    %get3A_13 = vector.shape_cast %get3A_12 : vector<1x2000x128xf32> to vector<2000x128xf32>
    %concatenate3A = tpu.concatenate %get3A_8, %get3A_13 in 1 : vector<2000x128xf32>, vector<2000x128xf32> -> vector<2000x256xf32>
    %broadcast_in_dim3A = vector.shape_cast %get3A_3 : vector<2000xf32> to vector<2000x1xf32>
    %mul3A = vector.broadcast %broadcast_in_dim3A : vector<2000x1xf32> to vector<2000x256xf32>
    %mul3A_14 = arith.mulf %mul3A, %concatenate3A : vector<2000x256xf32>
    %get3A_15 = arith.constant 0 : index
    %get3A_16 = vector.load %arg3[%get3A_15] : memref<256xf32, #tpu.memory_space<vmem>>, vector<256xf32>
    %broadcast_in_dim3A_17 = vector.shape_cast %get3A_16 : vector<256xf32> to vector<1x256xf32>
    %add3A = vector.broadcast %broadcast_in_dim3A_17 : vector<1x256xf32> to vector<2000x256xf32>
    %add3A_18 = arith.addf %mul3A_14, %add3A : vector<2000x256xf32>
    %max3A = arith.constant 0.000000e+00 : f32
    %max3A_19 = vector.broadcast %max3A : f32 to vector<2000x256xf32>
    %max3A_20 = arith.maximumf %add3A_18, %max3A_19 : vector<2000x256xf32>
    %get3A_21 = arith.constant 0 : index
    %get3A_22 = arith.constant 0 : index
    %get3A_23 = vector.load %arg4[%get3A_21, %get3A_22] : memref<256x128xf32, #tpu.memory_space<vmem>>, vector<256x128xf32>
    %dot_general3A = arith.constant dense<0.000000e+00> : vector<2000x128xf32>
    %dot_general3A_24 = tpu.matmul %max3A_20, %get3A_23, %dot_general3A {dimension_numbers = #tpu.dot_dimension_numbers<[1], [0], [0], [1], [0, 0, 1, 1], [], []>, precision = #tpu.contract_precision<fp32>, transpose_lhs_hint = false} : vector<2000x256xf32>, vector<256x128xf32>, vector<2000x128xf32> -> vector<2000x128xf32>
    %broadcast_in_dim3A_25 = vector.shape_cast %get3A_3 : vector<2000xf32> to vector<2000x1xf32>
    %mul3A_26 = vector.broadcast %broadcast_in_dim3A_25 : vector<2000x1xf32> to vector<2000x128xf32>
    %mul3A_27 = arith.mulf %mul3A_26, %dot_general3A_24 : vector<2000x128xf32>
    %swap3A = arith.constant 0 : index
    %swap3A_28 = arith.constant 0 : index
    %swap3A_29 = vector.load %arg5[%swap3A, %swap3A_28] : memref<2000x128xf32, #tpu.memory_space<vmem>>, vector<2000x128xf32>
    tpu.vector_store %arg5[%swap3A, %swap3A_28], %mul3A_27 {strides = array<i32>} : memref<2000x128xf32, #tpu.memory_space<vmem>>, vector<2000x128xf32>,
    return
  }
  func.func @transform_0(%arg0: i32) -> (i32, i32, i32) {
    %c0_i32 = arith.constant 0 : i32
    %c0_i32_0 = arith.constant 0 : i32
    %c0_i32_1 = arith.constant 0 : i32
    return %c0_i32, %arg0, %c0_i32_0 : i32, i32, i32
  }
  func.func @transform_1(%arg0: i32) -> (i32, i32, i32) {
    %c0_i32 = arith.constant 0 : i32
    %c0_i32_0 = arith.constant 0 : i32
    %c0_i32_1 = arith.constant 0 : i32
    return %arg0, %c0_i32, %c0_i32_0 : i32, i32, i32
  }
  func.func @transform_2(%arg0: i32) -> i32 {
    %c0_i32 = arith.constant 0 : i32
    %c0_i32_0 = arith.constant 0 : i32
    return %c0_i32 : i32
  }
  func.func @transform_3(%arg0: i32) -> (i32, i32) {
    %c0_i32 = arith.constant 0 : i32
    %c0_i32_0 = arith.constant 0 : i32
    %c0_i32_1 = arith.constant 0 : i32
    return %c0_i32, %c0_i32_0 : i32, i32
  }
  func.func @transform_4(%arg0: i32) -> (i32, i32) {
    %c0_i32 = arith.constant 0 : i32
    %c0_i32_0 = arith.constant 0 : i32
    return %arg0, %c0_i32 : i32, i32
  }
}

module attributes {stable_mosaic.version = 14 : i64} {
  func.func @_final_body(%arg0: i32, %arg1: memref<2x2000x128xf32, #tpu.memory_space<vmem>>, %arg2: memref<1x1x2000xf32, #tpu.memory_space<vmem>>, %arg3: memref<128xf32, #tpu.memory_space<vmem>>, %arg4: memref<2000x128xf32, #tpu.memory_space<vmem>>) attributes {dimension_semantics = [#tpu.dimension_semantics<arbitrary>], iteration_bounds = array<i64: 5>, scalar_prefetch = 0 : i64, scratch_operands = 0 : i64, tpu.core_type = #tpu.core_type<tc>, window_params = [{transform_indices = @transform_0, window_bounds = array<i64: 2, 2000, 128>}, {transform_indices = @transform_1, window_bounds = array<i64: 1, 1, 2000>}, {pipeline_mode = #tpu.pipeline_mode<synchronous>, transform_indices = @transform_2, window_bounds = array<i64: 128>}, {transform_indices = @transform_3, window_bounds = array<i64: 2000, 128>}]} {
    %get3A = arith.constant 0 : index
    %get3A_0 = arith.constant 0 : index
    %get3A_1 = arith.constant 0 : index
    %get3A_2 = vector.load %arg1[%get3A, %get3A_0, %get3A_1] : memref<2x2000x128xf32, #tpu.memory_space<vmem>>, vector<1x2000x128xf32>
    %get3A_3 = vector.shape_cast %get3A_2 : vector<1x2000x128xf32> to vector<2000x128xf32>
    %get3A_4 = arith.constant 1 : index
    %get3A_5 = arith.constant 0 : index
    %get3A_6 = arith.constant 0 : index
    %get3A_7 = vector.load %arg1[%get3A_4, %get3A_5, %get3A_6] : memref<2x2000x128xf32, #tpu.memory_space<vmem>>, vector<1x2000x128xf32>
    %get3A_8 = vector.shape_cast %get3A_7 : vector<1x2000x128xf32> to vector<2000x128xf32>
    %add3A = arith.addf %get3A_3, %get3A_8 : vector<2000x128xf32>
    %get3A_9 = arith.constant 0 : index
    %get3A_10 = arith.constant 0 : index
    %get3A_11 = arith.constant 0 : index
    %get3A_12 = vector.load %arg2[%get3A_9, %get3A_10, %get3A_11] : memref<1x1x2000xf32, #tpu.memory_space<vmem>>, vector<1x1x2000xf32>
    %get3A_13 = vector.shape_cast %get3A_12 : vector<1x1x2000xf32> to vector<2000xf32>
    %broadcast_in_dim3A = vector.shape_cast %get3A_13 : vector<2000xf32> to vector<2000x1xf32>
    %mul3A = vector.broadcast %broadcast_in_dim3A : vector<2000x1xf32> to vector<2000x128xf32>
    %mul3A_14 = arith.mulf %mul3A, %add3A : vector<2000x128xf32>
    %get3A_15 = arith.constant 0 : index
    %get3A_16 = vector.load %arg3[%get3A_15] : memref<128xf32, #tpu.memory_space<vmem>>, vector<128xf32>
    %broadcast_in_dim3A_17 = vector.shape_cast %get3A_16 : vector<128xf32> to vector<1x128xf32>
    %add3A_18 = vector.broadcast %broadcast_in_dim3A_17 : vector<1x128xf32> to vector<2000x128xf32>
    %add3A_19 = arith.addf %mul3A_14, %add3A_18 : vector<2000x128xf32>
    %swap3A = arith.constant 0 : index
    %swap3A_20 = arith.constant 0 : index
    %swap3A_21 = vector.load %arg4[%swap3A, %swap3A_20] : memref<2000x128xf32, #tpu.memory_space<vmem>>, vector<2000x128xf32>
    tpu.vector_store %arg4[%swap3A, %swap3A_20], %add3A_19 {strides = array<i32>} : memref<2000x128xf32, #tpu.memory_space<vmem>>, vector<2000x128xf32>,
    return
  }
  func.func @transform_0(%arg0: i32) -> (i32, i32, i32) {
    %c0_i32 = arith.constant 0 : i32
    %c0_i32_0 = arith.constant 0 : i32
    %c0_i32_1 = arith.constant 0 : i32
    return %c0_i32, %arg0, %c0_i32_0 : i32, i32, i32
  }
  func.func @transform_1(%arg0: i32) -> (i32, i32, i32) {
    %c0_i32 = arith.constant 0 : i32
    %c0_i32_0 = arith.constant 0 : i32
    %c0_i32_1 = arith.constant 0 : i32
    return %arg0, %c0_i32, %c0_i32_0 : i32, i32, i32
  }
  func.func @transform_2(%arg0: i32) -> i32 {
    %c0_i32 = arith.constant 0 : i32
    %c0_i32_0 = arith.constant 0 : i32
    return %c0_i32 : i32
  }
  func.func @transform_3(%arg0: i32) -> (i32, i32) {
    %c0_i32 = arith.constant 0 : i32
    %c0_i32_0 = arith.constant 0 : i32
    return %arg0, %c0_i32 : i32, i32
  }
}

</mosaic_0001>

<sc_bundles>
// kernel: kernel.12.cloned.1.call-start
scs
__scs_entry_jumppad:
0x0: {  	(pc) =	sbr.rel $0x88, $3  }
0x1: {  	(tag) =	ssettag $0x0;
	lr =	simm.s32 $0x1  }
0x2: {  	[smem:$0x3F9B] =	sst lr;
	_ =	strace $0xD0000000  }
0x3: {  	_ = 	snop  }
0x4: {  	_ = 	snop  }
0x5: {  	_ = 	snop  }
0x6: {  	_ = 	snop  }
0x7: {  	_ = 	snop  }
__scs_overlays_trampoline_lowered:
0x8: {  	[smem:$0x3FAA] =	sst s0  }
0x9: {  	[smem:$0x3FAB] =	sst s1  }
0xa: {  	[smem:$0x3FAC] =	sst s2  }
0xb: {  	[smem:$0x3FAD] =	sst s3  }
0xc: {  	[smem:$0x3FAE] =	sst s4  }
0xd: {  	[smem:$0x3FAF] =	sst s5  }
0xe: {  	[smem:$0x3FB0] =	sst s6  }
0xf: {  	[smem:$0x3FB1] =	sst s7  }
0x10: {  	[smem:$0x3FB2] =	sst s8  }
0x11: {  	[smem:$0x3FB3] =	sst s9;
	s0 =	simm.s32 @!p0 $0x0  }
0x12: {  	s1 =	sld [smem:$0x3F99];
	s0 =	simm.s32 @p0 $0x1  }
0x13: {  	[smem:$0x3FB4] =	sst s0;
	s0 =	simm.s32 @!p1 $0x0  }
0x14: {  	s2 =	sld [smem:$0x3F98];
	s0 =	simm.s32 @p1 $0x1  }
0x15: {  	[smem:$0x3FB5] =	sst s0;
	s0 =	simm.s32 @!p2 $0x0  }
0x16: {  	s3 =	sld [smem:$0x3FDB];
	s0 =	simm.s32 @p2 $0x1  }
0x17: {  	s4 =	simm.s32 $0x1BF5;
	[smem:$0x3FB7] =	sst s0  }
0x18: {  	s0 =	sld [smem:$0x3F9A];
	_ =	swait.ge [sflag:s4], $0x0  }
0x19: {  	s7 =	sld [smem:$0x3F9B]  }
0x1a: {  	s8 =	sadd.s32 $0xFFFFE003, lr  }
0x1b: {  	s9 =	sadd.s32 $0xFFFFFEF7, lr;
	s5 =	simm.s32 $0xFFFFFFFF;
	p2 =	slt.u32 s8, $0xFFFFF086  }
0x1c: {  	p1 =	slt.u32 s9, $0xF7A;
	s5 =	simm.s32 @!p2 $0x0  }
0x1d: {  	s5 =	simm.s32 @p1 $0x1;
	p0 =	seq.s32 s7, s2  }
0x1e: {  	s7 =	smul.u32 @!p0 $0xF7A, s2;
	p2 =	seq.s32 @!p0 s5, $0x0  }
0x1f: {  	s9 =	smul.u32 $0xF7A, s1;
	s8 =	simm.s32 @!p0 $0x1BF5;
	p2 =	por !p2, p0  }
0x20: {  	[sflag:s8] =	ssyncset.s32 @!p0 $0xFFFFF086;
	s6 =	sadd.s32 @!p0 s3, s7;
	s7 =	simm.s32 @!p0 $0x108  }
0x21: {  	s3 =	sadd.s32 s3, s9;
	s6 =	sadd.s32 @!p0 $0x88, s6;
	s7 =	simm.s32 @p2 $0x1082  }
0x22: {  	[simem:s7], [sflag:s8] =	dma.local @!p0 [hbm:s6], $0xF7A  }
0x23: {  	s9 =	sor.u32 $0xD0000000, s2;
	s6 =	simm.s32 $0x108;
	_ =	swait.ge @!p0 [sflag:s8], $0x0  }
0x24: {  	s3 =	sadd.s32 $0x88, s3;
	s6 =	simm.s32 @!p1 $0x1082;
	[sflag:s4] =	ssyncset.s32 $0xFFFFF086  }
0x25: {  	[simem:s6], [sflag:s4] =	dma.local [hbm:s3], $0xF7A  }
0x26: {  	[smem:$0x3F9B] =	sst s1;
	(tag) =	ssettag s2;
	_ =	strace s9  }
0x27: {  	s1 =	sld [smem:$0x3FAB]  }
0x28: {  	s2 =	sld [smem:$0x3FAC]  }
0x29: {  	s4 =	sld [smem:$0x3FAE]  }
0x2a: {  	p0 =	seq.s32 s5, $0x0;
	s5 =	sld [smem:$0x3FAF]  }
0x2b: {  	s6 =	sld [smem:$0x3FB0]  }
0x2c: {  	s7 =	sld [smem:$0x3FB1]  }
0x2d: {  	s3 =	simm.s32 $0x108;
	s8 =	sld [smem:$0x3FB2]  }
0x2e: {  	s3 =	simm.s32 @!p0 $0x1082;
	s9 =	sld [smem:$0x3FB3]  }
0x2f: {  	lr =	sadd.s32 s0, s3;
	s0 =	sld [smem:$0x3FAA]  }
0x30: {  	s3 =	sld [smem:$0x3FAD]  }
0x31: {  	[smem:$0x3FB6] =	sst s10  }
0x32: {  	s10 =	sld [smem:$0x3FB4];
	_ =	sdelay $0x3  }
0x33: {  	p0 =	seq.s32 s10, $0x1;
	s10 =	sld [smem:$0x3FB6];
	_ =	sdelay $0x3  }
0x34: {  	[smem:$0x3FB6] =	sst s10  }
0x35: {  	s10 =	sld [smem:$0x3FB5];
	_ =	sdelay $0x3  }
0x36: {  	p1 =	seq.s32 s10, $0x1;
	s10 =	sld [smem:$0x3FB6];
	_ =	sdelay $0x3  }
0x37: {  	[smem:$0x3FB6] =	sst s10  }
0x38: {  	s10 =	sld [smem:$0x3FB7]  }
0x39: {  	_ = 	snop;
	(pc) =	sbr.ind lr, $3  }
0x3a: {  	_ = 	snop  }
0x3b: {  	_ = 	snop  }
0x3c: {  	p2 =	seq.s32 s10, $0x1;
	s10 =	sld [smem:$0x3FB6]  }
0x3d: {  	_ =	shalt  }
0x3e: {  	_ =	shalt  }
0x3f: {  	_ =	shalt  }
0x40: {  	_ =	shalt  }
0x41: {  	_ =	shalt  }
0x42: {  	_ =	shalt  }
0x43: {  	_ =	shalt  }
0x44: {  	_ =	shalt  }
0x45: {  	_ =	shalt  }
0x46: {  	_ =	shalt  }
0x47: {  	_ =	shalt  }
0x48: {  	_ =	shalt  }
0x49: {  	_ =	shalt  }
0x4a: {  	_ =	shalt  }
0x4b: {  	_ =	shalt  }
0x4c: {  	_ =	shalt  }
0x4d: {  	_ =	shalt  }
0x4e: {  	_ =	shalt  }
0x4f: {  	_ =	shalt  }
0x50: {  	_ =	shalt  }
0x51: {  	_ =	shalt  }
0x52: {  	_ =	shalt  }
0x53: {  	_ =	shalt  }
0x54: {  	_ =	shalt  }
0x55: {  	_ =	shalt  }
0x56: {  	_ =	shalt  }
0x57: {  	_ =	shalt  }
0x58: {  	_ =	shalt  }
0x59: {  	_ =	shalt  }
0x5a: {  	_ =	shalt  }
0x5b: {  	_ =	shalt  }
0x5c: {  	_ =	shalt  }
0x5d: {  	_ =	shalt  }
0x5e: {  	_ =	shalt  }
0x5f: {  	_ =	shalt  }
0x60: {  	_ =	shalt  }
0x61: {  	_ =	shalt  }
0x62: {  	_ =	shalt  }
0x63: {  	_ =	shalt  }
0x64: {  	_ =	shalt  }
0x65: {  	_ =	shalt  }
0x66: {  	_ =	shalt  }
0x67: {  	_ =	shalt  }
0x68: {  	_ =	shalt  }
0x69: {  	_ =	shalt  }
0x6a: {  	_ =	shalt  }
0x6b: {  	_ =	shalt  }
0x6c: {  	_ =	shalt  }
0x6d: {  	_ =	shalt  }
0x6e: {  	_ =	shalt  }
0x6f: {  	_ =	shalt  }
0x70: {  	_ =	shalt  }
0x71: {  	_ =	shalt  }
0x72: {  	_ =	shalt  }
0x73: {  	_ =	shalt  }
0x74: {  	_ =	shalt  }
0x75: {  	_ =	shalt  }
0x76: {  	_ =	shalt  }
0x77: {  	_ =	shalt  }
0x78: {  	_ =	shalt  }
0x79: {  	_ =	shalt  }
0x7a: {  	_ =	shalt  }
0x7b: {  	_ =	shalt  }
0x7c: {  	_ =	shalt  }
0x7d: {  	_ =	shalt  }
0x7e: {  	_ =	shalt  }
0x7f: {  	_ =	shalt  }
0x80: {  	_ =	shalt  }
0x81: {  	_ =	shalt  }
0x82: {  	_ =	shalt  }
0x83: {  	_ =	shalt  }
0x84: {  	_ =	shalt  }
0x85: {  	_ =	shalt  }
0x86: {  	_ =	shalt  }
0x87: {  	_ =	shalt  }
.Lfunc_end0:
.L_simem_size_0:
called_computation.1_lowered:
.L_overlay_start_0:
0x88: {  	s2 =	sld [smem:$0x3FD9]  }
0x89: {  	s3 =	sld [smem:$0x3FFE];
	_ =	sdelay $0x1  }
0x8a: {  	s1 =	srdreg.scid  }
0x8b: {  	s0 =	sand.u32 $0x1, s1  }
0x8c: {  	s16 =	sshll.u32 s0, $0xA;
	s2 =	sadd.s32 s3, s2  }
0x8d: {  	s2 =	sadd.s32 s2, s16  }
0x8e: {  	[smem:$0x3FC2] =	sst s2  }
0x8f: {  	_ = 	snop  }
0x90: {  	(tm) =	ssettm $0x1  }
0x91: {  	s17 =	sld [smem:$0x3FFB];
	_ =	sdelay $0x3  }
0x92: {  	_ =	strace s17  }
0x93: {  	s2 =	sld [smem:$0x3FFC];
	_ =	sdelay $0x3  }
0x94: {  	_ =	strace s2  }
0x95: {  	s2 =	sld [smem:$0x3FFD];
	_ =	sdelay $0x3  }
0x96: {  	_ =	strace s2  }
0x97: {  	_ =	strace $0x8FFFFFFF  }
0x98: {  	s18 =	sld [smem:$0x3FDB];
	_ =	sdelay $0x1  }
0x99: {  	s19 =	simm.s32 $_scs_section_size  }
0x9a: {  	s4 =	simm.s32 $_size__tile_overlayer_lowered;
	s5 =	simm.s32 $_tile_overlayer_lowered  }
0x9b: {  	s22 =	simm.s32 $0x1BFF;
	s21 =	sshll.u32 s5, $0x1;
	s2 =	sadd.s32 s19, s18  }
0x9c: {  	s6 =	simm.s32 $0x0;
	s20 =	sshll.u32 s4, $0x1;
	s4 =	sadd.s32 s21, s2  }
0x9d: {  	[timem:s6], [sflag:s22] =	dma.local [hbm:s4], s20  }
0x9e: {  	_ =	swait.ge [sflag:s22], s20  }
0x9f: {  	s3 =	ssub.s32 $0x0, s20;
	[sflag:s22] =	ssyncset.done $0x0  }
0xa0: {  	[sflag:s22] =	ssyncadd.s32 s3;
	_ =	sdelay $0x1  }
0xa1: {  	s23 =	simm.s32 $0x1B8B  }
0xa2: {  	_ =	swait.ge [sflag:s23], $0x1  }
0xa3: {  	[sflag:s23] =	ssyncset.done $0x0  }
0xa4: {  	s25 =	simm.s32 $0x1B8E;
	s24 =	sld [smem:$0x3FFE];
	[sflag:s23] =	ssyncadd.s32 $0xFFFFFFFF  }
0xa5: {  	s26 =	simm.s32 $execute0_lowered;
	[smem:$0x3FD2] =	sst s25  }
0xa6: {  	s4 =	sshll.u32 s26, $0x1;
	_ =	strace $0x80000049;
	[dreg:$0x1] =	wrdreg $0xFFFFFFFF  }
0xa7: {  	s28 =	simm.s32 $_size_execute0_lowered;
	s2 =	sadd.s32 s2, s4;
	[dreg:$0x0] =	wrdreg $0x0  }
0xa8: {  	s4 =	sshll.u32 s28, $0x1;
	[dreg:$0x2] =	wrdreg s2  }
0xa9: {  	[dreg:$0x3] =	wrdreg s4  }
0xaa: {  	[dreg:$0x4] =	wrdreg $0xC0  }
0xab: {  	_ =	task [dreg:s6], $0x5FFFF  }
0xac: {  	[dreg:$0x1] =	wrdreg $0xFFFFFFFF  }
0xad: {  	[dreg:$0x0] =	wrdreg $0x60  }
0xae: {  	[dreg:$0x2] =	wrdreg s24  }
0xaf: {  	[dreg:$0x3] =	wrdreg $0x0  }
0xb0: {  	[dreg:$0x4] =	wrdreg $0x9  }
0xb1: {  	_ =	task.clear_ibuf [dreg:s6], $0x5FFFF;
	_ =	strace $0x90000049  }
0xb2: {  	s29 =	simm.s32 $0x9;
	_ =	strace $0x8000004B  }
0xb3: {  	_ =	swait.ge [sflag:s29], $0x1  }
0xb4: {  	[sflag:s29] =	ssyncadd.s32 $0xFFFFFFFF  }
0xb5: {  	_ =	strace $0x9000004B  }
0xb6: {  	_ =	sfence  }
0xb7: {  	s30 =	sld [smem:$0x0];
	_ =	sdelay $0x2  }
0xb8: {  	s31 =	sshll.u32 s1, $0xD;
	s1 =	sshrl.u32 s1, $0x2  }
0xb9: {  	s3 =	sand.u32 $0x4000, s31;
	s1 =	sadd.s32 s1, s30  }
0xba: {  	s0 =	sor.u32 s3, s0;
	s1 =	sshll.u32 s1, $0x11  }
0xbb: {  	s0 =	sor.u32 s1, s0  }
0xbc: {  	s0 =	sadd.s32 $0x8F2B, s0  }
0xbd: {  	[sflag:s0] =	ssyncadd.remote.s32 $0x1  }
0xbe: {  	_ =	sfence.sel $0xFFFF  }
0xbf: {  	[dreg:$0x0] =	wrdreg $0xFFFFFFFF;
	(pc) =	sbr.abs _section_cstart, $3  }
0xc0: {  	[dreg:$0x1] =	wrdreg $0xFFFFFFFF  }
0xc1: {  	_ =	task.clear_ibuf [dreg:s6], $0x2FFFF;
	_ =	strace $0x9FFFFFFF  }
0xc2: {  	(tm) =	ssettm $0x7FFFFFFF  }
0xc3: {  	_ =	shalt  }
tec
execute0_lowered:
.L_overlay_start_1:
0x0: {  	(tag) =	ssettag $0x1  }
0x1: {  	s0 =	rddreg [dreg:$0x0]  }
0x2: {  	s1 =	rddreg [dreg:$0x1];
	s3 =	simm.s32 $0x0;
	s2 =	srdreg.scid  }
0x3: {  	s14 =	stileid.u32;
	s16 =	simm.s32 $0x13880;
	s17 =	simm.s32 $0x7  }
0x4: {  	s18 =	simm.s32 $0x50;
	s19 =	simm.s32 $0x15880;
	s20 =	simm.s32 $0x13900  }
0x5: {  	s21 =	simm.s32 $0x18080;
	s22 =	simm.s32 $0x5;
	s23 =	simm.s32 $0x6  }
0x6: {  	[smem:$0x7FF] =	sst s3;
	s2 =	sand.u32 $0x1, s2;
	s7 =	smul.u32 $0x13800, s14  }
0x7: {  	s6 =	sadd.s32 $0x2A800, s0;
	s4 =	sadd.s32 $0x2800, s0;
	s9 =	smul.u32 $0x4E000, s14  }
0x8: {  	s10 =	sadd.s32 $0x78A00, s0;
	s13 =	sadd.s32 $0x124800, s1;
	p0 =	seq.s32 s14, $0xF  }
0x9: {  	s24 =	simm.s32 $0x4;
	s5 =	smul.u32 $0x138800, s2;
	_ =	strace $0x8000004A  }
0xa: {  	s8 =	ssub.s32 $0x2, s2;
	s2 =	smul.u32 $0x27100, s2;
	s13 =	sshrl.u32 @p0 s13, $0x3  }
0xb: {  	s11 =	sshrl.u32 s8, $0x1;
	s25 =	sshrl.u32 s9, $0x2;
	s7 =	sadd.s32 s7, s5  }
0xc: {  	s12 =	ssub.s32 s8, s11;
	s15 =	sadd.s32 s25, s1;
	s5 =	sshrl.u32 s5, $0x3  }
0xd: {  	s8 =	sadd.s32 $0x16800, s0;
	s26 =	sshrl.u32 s7, $0x3;
	s31 =	smax.u32 s12, $0x1  }
0xe: {  	s5 =	sadd.s32 $0x24900, s5;
	s7 =	sadd.s32 s6, s26;
	[dreg:$0x7] =	wrdreg s31  }
0xf: {  	s9 =	sadd.s32 s6, s2;
	s28 =	sadd.s32 s6, s5;
	[dreg:$0x3] =	wrdreg s7  }
0x10: {  	s0 =	sshll.u32 @!p0 s14, $0x6;
	s29 =	sadd.s32 s10, s26;
	[dreg:$0x4] =	wrdreg s28  }
0x11: {  	s15 =	sshrl.u32 @!p0 s15, $0x3;
	s30 =	sadd.s32 s10, s5;
	[dreg:$0x5] =	wrdreg s29  }
0x12: {  	s7 =	smul.u32 $0xA, s14;
	[dreg:$0x6] =	wrdreg s30;
	s14 =	sor.u32 @!p0 $0x1C07, s0  }
.LBB2_1:
0x13: {  	s0 =	simm.s32 @p0 $0x1FC7;
	s2 =	rddreg [dreg:$0x4]  }
0x14: {  	[spmem:s13], [sflag:s0] =	dma.local @p0 [hbm:s2], $0x2800  }
0x15: {  	s0 =	simm.s32 @p0 $0x7  }
0x16: {  	_ =	swait.ge @p0 [sflag:s0], $0x2800  }
0x17: {  	[sflag:s0] =	ssyncset.done @p0 $0x0  }
0x18: {  	[sflag:s0] =	ssyncadd.s32 @p0 $0xFFFFD800;
	s0 =	rddreg [dreg:$0x3]  }
0x19: {  	[spmem:s15], [sflag:s14] =	dma.local @!p0 [hbm:s0], $0x2700  }
0x1a: {  	s0 =	simm.s32 @!p0 $0x7  }
0x1b: {  	_ =	swait.ge @!p0 [sflag:s0], $0x2700  }
0x1c: {  	[sflag:s0] =	ssyncset.done @!p0 $0x0  }
0x1d: {  	[sflag:s0] =	ssyncadd.s32 @!p0 $0xFFFFD900  }
0x1e: {  	s25 =	simm.s32 $0x0;
	[bflag:$0x0] =	sbarrier.arrive $0xFFFF  }
.LBB2_2:
0x1f: {  	s0 =	sadd.s32 s7, s25  }
0x20: {  	s0 =	sshll.u32 s0, $0x9  }
0x21: {  	s5 =	simm.s32 $0x0;
	s2 =	sadd.s32 s4, s0  }
0x22: {  	[tilespmem:s16], [sflag:$0x7] =	stream.linear.gather [hbm4b:s2+s5], $0xC80, $0x38;
	[tilespmem:$0x1D080] =	vst v63  }
0x23: {  	_ =	swait.ge [sflag:s17], $0xC80  }
0x24: {  	s12 =	simm.s32 $0x14880;
	p1 =	por $0x0, $0x0;
	[sflag:s17] =	ssyncset.done $0x0  }
0x25: {  	s26 =	smul.u32 $0xAB, s5;
	s0 =	sadd.s32 s0, s8;
	[sflag:s17] =	ssyncadd.s32 $0xFFFFF380  }
0x26: {  	[tilespmem:s12], [sflag:$0x7] =	stream.linear.gather [hbm4b:s0+s5], $0xC80, $0x38;
	[tilespmem:$0x1D080] =	vst v63  }
0x27: {  	s31 =	simm.s32 $0x2;
	s29 =	simm.s32 $0x14900;
	s5 =	simm.s32 $0x2  }
0x28: {  	s0 =	sshrl.u32 s26, $0x9;
	_ =	swait.ge [sflag:s17], $0xC80;
	s5 =	smul.u32 @!p1 $0xAB, s5  }
0x29: {  	s26 =	simm.s32 $0x1;
	s0 =	sand.u32 $0x7F, s0;
	[sflag:s17] =	ssyncset.done $0x0  }
0x2a: {  	s6 =	smul.u32 $0x3, s0;
	[sflag:s17] =	ssyncadd.s32 $0xFFFFF380;
	s5 =	sshrl.u32 @!p1 s5, $0x9  }
0x2b: {  	[tilespmem:s19], [sflag:$0x1] =	stream.indirect.gather [hbm4b:s9+s18], $0x80, s16, s18, $0xb8;
	[tilespmem:$0x1D080] =	vst v63  }
0x2c: {  	s30 =	smul.u32 $0xAB, s26;
	s6 =	ssub.s32 $0x0, s6;
	s5 =	sand.u32 @!p1 $0x7F, s5  }
0x2d: {  	p2 =	por @!p1 $0x1, $0x1;
	s6 =	sand.u32 $0xFF, s6;
	s5 =	smul.u32 @!p1 $0x3, s5  }
0x2e: {  	[tilespmem:s21], [sflag:$0x2] =	stream.indirect.gather [hbm4b:s9+s18], $0x80, s20, s18, $0xb8;
	[tilespmem:$0x1D080] =	vst v63  }
0x2f: {  	p2 =	por p2, p1;
	s10 =	smul.u32 $0xA000, s6;
	s28 =	sadd.s32 $0x1, s6  }
0x30: {  	s0 =	simm.s32 $0x13980;
	s6 =	sor.u32 $0x4, s6;
	_ =	swait.ge [sflag:s28], $0x2800  }
0x31: {  	s5 =	ssub.s32 @!p1 $0x2, s5;
	s10 =	sshrl.u32 s10, $0x2;
	[sflag:s28] =	ssyncset.done $0x0  }
0x32: {  	s2 =	sand.u32 @!p1 $0xFF, s5;
	s10 =	sadd.s32 $0x15880, s10;
	[sflag:s28] =	ssyncadd.s32 $0xFFFFD800  }
0x33: {  	[spmem:s1] =	stream.indirect.scatter.add.f32 [tilespmem:s10], [sflag:s6], $0x80, s12, s18, $0xb8;
	[tilespmem:$0x1D080] =	vst v63  }
0x34: {  	s5 =	sadd.s32 @!p2 $0x4, s2;
	s28 =	simm.s32 $0x13A00;
	s10 =	smul.u32 @!p1 $0xA000, s2  }
0x35: {  	s2 =	sadd.s32 @!p1 $0x1, s2;
	s6 =	simm.s32 @!p1 $0x50;
	_ =	swait.ge @!p2 [sflag:s5], $0x2800  }
.LBB2_3:
0x36: {  	s11 =	sshrl.u32 s30, $0x9  }
0x37: {  	[sflag:s5] =	ssyncset.done @!p2 $0x0;
	s10 =	sshrl.u32 @!p1 s10, $0x2;
	s12 =	smov.u32 s31  }
0x38: {  	s30 =	smul.u32 $0xAB, s31;
	[sflag:s5] =	ssyncadd.s32 @!p2 $0xFFFFD800;
	s5 =	sadd.s32 @!p1 $0x15880, s10  }
0x39: {  	[tilespmem:s5], [sflag:s2] =	stream.indirect.gather @!p1 [hbm4b:s9+s6], $0x80, s0, s6, $0xb8;
	[tilespmem:$0x1D080] =	vst v63  }
0x3a: {  	s31 =	sadd.s32 $0x1, s31;
	s0 =	sand.u32 $0x7F, s11  }
0x3b: {  	s2 =	sadd.s32 $0x2, s26;
	p1 =	sgt.u32 s26, $0x16;
	s5 =	smul.u32 $0x3, s0  }
0x3c: {  	p3 =	sne.s32 s31, $0x19;
	s6 =	smul.u32 @!p1 $0xAB, s2  }
0x3d: {  	p2 =	seq.s32 @!p1 s26, $0x0;
	s0 =	smov.u32 s28;
	s5 =	ssub.s32 s26, s5  }
0x3e: {  	s26 =	smov.u32 s12;
	s6 =	sshrl.u32 @!p1 s6, $0x9;
	s5 =	sand.u32 $0xFF, s5  }
0x3f: {  	s6 =	sand.u32 @!p1 $0x7F, s6;
	s10 =	smul.u32 $0xA000, s5  }
0x40: {  	s11 =	sadd.s32 $0x1, s5;
	s6 =	smul.u32 @!p1 $0x3, s6  }
0x41: {  	p2 =	por p2, p1;
	s5 =	sor.u32 $0x4, s5;
	_ =	swait.ge [sflag:s11], $0x2800  }
0x42: {  	s10 =	sshrl.u32 s10, $0x2;
	s2 =	ssub.s32 @!p1 s2, s6;
	[sflag:s11] =	ssyncset.done $0x0  }
.Ltmp0:
0x43: {  	s10 =	sadd.s32 $0x15880, s10;
	[sflag:s11] =	ssyncadd.s32 $0xFFFFD800;
	(pc) =	sbr.rel @p3 .LBB2_3-.Ltmp0, $4  }
0x44: {  	[spmem:s1] =	stream.indirect.scatter.add.f32 [tilespmem:s10], [sflag:s5], $0x80, s29, s18, $0xb8;
	[tilespmem:$0x1D080] =	vst v63  }
0x45: {  	s2 =	sand.u32 @!p1 $0xFF, s2;
	s29 =	sadd.s32 $0x80, s29  }
0x46: {  	s5 =	sadd.s32 @!p2 $0x4, s2;
	s10 =	smul.u32 @!p1 $0xA000, s2;
	s2 =	sadd.s32 @!p1 $0x1, s2  }
0x47: {  	s28 =	sadd.s32 $0x80, s28;
	s6 =	simm.s32 @!p1 $0x50;
	_ =	swait.ge @!p2 [sflag:s5], $0x2800  }
0x48: {  	[sflag:s5] =	ssyncset.done @!p2 $0x0;
	s10 =	sshrl.u32 @!p1 s10, $0x2;
	s11 =	sshrl.u32 s30, $0x9  }
0x49: {  	[sflag:s5] =	ssyncadd.s32 @!p2 $0xFFFFD800;
	s5 =	sadd.s32 @!p1 $0x15880, s10;
	s12 =	sand.u32 $0x7F, s11  }
0x4a: {  	[tilespmem:s5], [sflag:s2] =	stream.indirect.gather @!p1 [hbm4b:s9+s6], $0x80, s0, s6, $0xb8;
	[tilespmem:$0x1D080] =	vst v63  }
0x4b: {  	s2 =	sadd.s32 $0x2, s26;
	s0 =	smul.u32 $0x3, s12;
	p1 =	sgt.u32 s26, $0x16  }
0x4c: {  	s5 =	smul.u32 @!p1 $0xAB, s2  }
0x4d: {  	s0 =	ssub.s32 s26, s0  }
0x4e: {  	s0 =	sand.u32 $0xFF, s0;
	s5 =	sshrl.u32 @!p1 s5, $0x9  }
0x4f: {  	s30 =	smul.u32 $0xA000, s0;
	s31 =	sadd.s32 $0x1, s0;
	s5 =	sand.u32 @!p1 $0x7F, s5  }
0x50: {  	p2 =	seq.s32 @!p1 s26, $0x0;
	_ =	swait.ge [sflag:s31], $0x2800;
	s5 =	smul.u32 @!p1 $0x3, s5  }
0x51: {  	s0 =	sor.u32 $0x4, s0;
	s6 =	sshrl.u32 s30, $0x2;
	[sflag:s31] =	ssyncset.done $0x0  }
0x52: {  	s6 =	sadd.s32 $0x15880, s6;
	[sflag:s31] =	ssyncadd.s32 $0xFFFFD800;
	s2 =	ssub.s32 @!p1 s2, s5  }
0x53: {  	[spmem:s1] =	stream.indirect.scatter.add.f32 [tilespmem:s6], [sflag:s0], $0x80, s29, s18, $0xb8;
	[tilespmem:$0x1D080] =	vst v63  }
0x54: {  	p2 =	por p2, p1;
	s0 =	sand.u32 @!p1 $0xFF, s2  }
0x55: {  	s2 =	sadd.s32 @!p2 $0x4, s0;
	s5 =	smul.u32 @!p1 $0xA000, s0  }
0x56: {  	_ =	swait.ge @!p2 [sflag:s2], $0x2800  }
0x57: {  	s6 =	simm.s32 @!p1 $0x50;
	[sflag:s2] =	ssyncset.done @!p2 $0x0;
	s5 =	sshrl.u32 @!p1 s5, $0x2  }
0x58: {  	s0 =	sadd.s32 @!p1 $0x1, s0;
	[sflag:s2] =	ssyncadd.s32 @!p2 $0xFFFFD800;
	s2 =	sadd.s32 @!p1 $0x15880, s5  }
0x59: {  	[tilespmem:s2], [sflag:s0] =	stream.indirect.gather @!p1 [hbm4b:s9+s6], $0x80, s28, s6, $0xb8;
	[tilespmem:$0x1D080] =	vst v63  }
0x5a: {  	_ =	swait.ge [sflag:s22], $0x2800  }
0x5b: {  	[sflag:s22] =	ssyncset.done $0x0  }
0x5c: {  	s25 =	sadd.s32 $0x1, s25;
	[sflag:s22] =	ssyncadd.s32 $0xFFFFD800  }
0x5d: {  	p1 =	sne.s32 s25, $0xA;
	_ =	swait.ge [sflag:s23], $0x2800  }
.Ltmp1:
0x5e: {  	[sflag:s23] =	ssyncset.done $0x0;
	(pc) =	sbr.rel @p1 .LBB2_2-.Ltmp1, $4  }
0x5f: {  	[sflag:s23] =	ssyncadd.s32 $0xFFFFD800  }
0x60: {  	_ =	swait.ge [sflag:s24], $0x2800  }
0x61: {  	[sflag:s24] =	ssyncset.done $0x0  }
0x62: {  	[sflag:s24] =	ssyncadd.s32 $0xFFFFD800  }
0x63: {  	[bflag:$0x0] =	sbarrier.arrive $0xFFFF  }
0x64: {  	s0 =	simm.s32 @p0 $0x1FC7;
	s2 =	rddreg [dreg:$0x6]  }
0x65: {  	[hbm:s2], [sflag:s0] =	dma.local @p0 [spmem:s13], $0x2800  }
0x66: {  	s0 =	simm.s32 @p0 $0x7  }
0x67: {  	_ =	swait.ge @p0 [sflag:s0], $0x2800  }
0x68: {  	[sflag:s0] =	ssyncset.done @p0 $0x0  }
0x69: {  	[sflag:s0] =	ssyncadd.s32 @p0 $0xFFFFD800;
	s0 =	rddreg [dreg:$0x5]  }
0x6a: {  	[hbm:s0], [sflag:s14] =	dma.local @!p0 [spmem:s15], $0x2700  }
0x6b: {  	s0 =	simm.s32 @!p0 $0x7  }
0x6c: {  	_ =	swait.ge @!p0 [sflag:s0], $0x2700  }
0x6d: {  	s3 =	sadd.s32 $0x1, s3;
	s31 =	rddreg [dreg:$0x7]  }
0x6e: {  	p1 =	sne.s32 s3, s31  }
.Ltmp2:
0x6f: {  	_ = 	snop;
	(pc) =	sbr.rel @p1 .LBB2_1-.Ltmp2, $3  }
0x70: {  	_ =	sdelay $0x1  }
0x71: {  	[sflag:s0] =	ssyncset.done @!p0 $0x0  }
0x72: {  	[sflag:s0] =	ssyncadd.s32 @!p0 $0xFFFFD900  }
0x73: {  	_ =	sfence.sel $0x180000  }
0x74: {  	[bflag:$0x0] =	sbarrier.arrive $0xFFFF  }
0x75: {  	_ =	strace $0x9000004A  }
0x76: {  	s0 =	stileid.u32;
	[bflag:$0x2] =	sbarrier.arrive $0xFFFF  }
0x77: {  	p0 =	sne.s32 s0, $0x0;
	s0 =	rddreg [dreg:$0x2]  }
0x78: {  	s0 =	sadd.s32 @!p0 $0x100000, s0  }
0x79: {  	[sflag:s0] =	ssyncadd.tile.s32 @!p0 $0x1;
	_ =	shalt  }
.Lfunc_end2:
_tile_overlayer_lowered:
.L_overlay_start_2:
0x7a: {  	(tag) =	ssettag $0x2  }
0x7b: {  	s0 =	rddreg [dreg:$0x0];
	s2 =	stileid.u32  }
0x7c: {  	s1 =	rddreg [dreg:$0x1];
	p0 =	sne.s32 s2, $0x0  }
0x7d: {  	s3 =	rddreg [dreg:$0x2];
	[bflag:$0x3] =	sbarrier.arrive $0xFFFF;
	s2 =	simm.s32 @!p0 $0x1C07  }
0x7e: {  	[timem:s3], [sflag:s2] =	dma.local @!p0 [hbm:s0], s1  }
0x7f: {  	s0 =	simm.s32 @!p0 $0x7  }
0x80: {  	_ =	swait.ge @!p0 [sflag:s0], s1  }
0x81: {  	s1 =	ssub.s32 @!p0 $0x0, s1;
	[sflag:s0] =	ssyncset.done @!p0 $0x0  }
0x82: {  	[sflag:s0] =	ssyncadd.s32 @!p0 s1  }
0x83: {  	[bflag:$0x3] =	sbarrier.arrive $0xFFFF  }
0x84: {  	_ =	shalt  }

// kernel: kernel.15.cloned.1.call-start
scs
__scs_entry_jumppad:
0x0: {  	(pc) =	sbr.rel $0x88, $3  }
0x1: {  	(tag) =	ssettag $0x0;
	lr =	simm.s32 $0x1  }
0x2: {  	[smem:$0x3F9B] =	sst lr;
	_ =	strace $0xD0000000  }
0x3: {  	_ = 	snop  }
0x4: {  	_ = 	snop  }
0x5: {  	_ = 	snop  }
0x6: {  	_ = 	snop  }
0x7: {  	_ = 	snop  }
__scs_overlays_trampoline_lowered:
0x8: {  	[smem:$0x3FAA] =	sst s0  }
0x9: {  	[smem:$0x3FAB] =	sst s1  }
0xa: {  	[smem:$0x3FAC] =	sst s2  }
0xb: {  	[smem:$0x3FAD] =	sst s3  }
0xc: {  	[smem:$0x3FAE] =	sst s4  }
0xd: {  	[smem:$0x3FAF] =	sst s5  }
0xe: {  	[smem:$0x3FB0] =	sst s6  }
0xf: {  	[smem:$0x3FB1] =	sst s7  }
0x10: {  	[smem:$0x3FB2] =	sst s8  }
0x11: {  	[smem:$0x3FB3] =	sst s9;
	s0 =	simm.s32 @!p0 $0x0  }
0x12: {  	s1 =	sld [smem:$0x3F99];
	s0 =	simm.s32 @p0 $0x1  }
0x13: {  	[smem:$0x3FB4] =	sst s0;
	s0 =	simm.s32 @!p1 $0x0  }
0x14: {  	s2 =	sld [smem:$0x3F98];
	s0 =	simm.s32 @p1 $0x1  }
0x15: {  	[smem:$0x3FB5] =	sst s0;
	s0 =	simm.s32 @!p2 $0x0  }
0x16: {  	s3 =	sld [smem:$0x3FDB];
	s0 =	simm.s32 @p2 $0x1  }
0x17: {  	s4 =	simm.s32 $0x1BF5;
	[smem:$0x3FB7] =	sst s0  }
0x18: {  	s0 =	sld [smem:$0x3F9A];
	_ =	swait.ge [sflag:s4], $0x0  }
0x19: {  	s7 =	sld [smem:$0x3F9B]  }
0x1a: {  	s8 =	sadd.s32 $0xFFFFE003, lr  }
0x1b: {  	s9 =	sadd.s32 $0xFFFFFEF7, lr;
	s5 =	simm.s32 $0xFFFFFFFF;
	p2 =	slt.u32 s8, $0xFFFFF086  }
0x1c: {  	p1 =	slt.u32 s9, $0xF7A;
	s5 =	simm.s32 @!p2 $0x0  }
0x1d: {  	s5 =	simm.s32 @p1 $0x1;
	p0 =	seq.s32 s7, s2  }
0x1e: {  	s7 =	smul.u32 @!p0 $0xF7A, s2;
	p2 =	seq.s32 @!p0 s5, $0x0  }
0x1f: {  	s9 =	smul.u32 $0xF7A, s1;
	s8 =	simm.s32 @!p0 $0x1BF5;
	p2 =	por !p2, p0  }
0x20: {  	[sflag:s8] =	ssyncset.s32 @!p0 $0xFFFFF086;
	s6 =	sadd.s32 @!p0 s3, s7;
	s7 =	simm.s32 @!p0 $0x108  }
0x21: {  	s3 =	sadd.s32 s3, s9;
	s6 =	sadd.s32 @!p0 $0x88, s6;
	s7 =	simm.s32 @p2 $0x1082  }
0x22: {  	[simem:s7], [sflag:s8] =	dma.local @!p0 [hbm:s6], $0xF7A  }
0x23: {  	s9 =	sor.u32 $0xD0000000, s2;
	s6 =	simm.s32 $0x108;
	_ =	swait.ge @!p0 [sflag:s8], $0x0  }
0x24: {  	s3 =	sadd.s32 $0x88, s3;
	s6 =	simm.s32 @!p1 $0x1082;
	[sflag:s4] =	ssyncset.s32 $0xFFFFF086  }
0x25: {  	[simem:s6], [sflag:s4] =	dma.local [hbm:s3], $0xF7A  }
0x26: {  	[smem:$0x3F9B] =	sst s1;
	(tag) =	ssettag s2;
	_ =	strace s9  }
0x27: {  	s1 =	sld [smem:$0x3FAB]  }
0x28: {  	s2 =	sld [smem:$0x3FAC]  }
0x29: {  	s4 =	sld [smem:$0x3FAE]  }
0x2a: {  	p0 =	seq.s32 s5, $0x0;
	s5 =	sld [smem:$0x3FAF]  }
0x2b: {  	s6 =	sld [smem:$0x3FB0]  }
0x2c: {  	s7 =	sld [smem:$0x3FB1]  }
0x2d: {  	s3 =	simm.s32 $0x108;
	s8 =	sld [smem:$0x3FB2]  }
0x2e: {  	s3 =	simm.s32 @!p0 $0x1082;
	s9 =	sld [smem:$0x3FB3]  }
0x2f: {  	lr =	sadd.s32 s0, s3;
	s0 =	sld [smem:$0x3FAA]  }
0x30: {  	s3 =	sld [smem:$0x3FAD]  }
0x31: {  	[smem:$0x3FB6] =	sst s10  }
0x32: {  	s10 =	sld [smem:$0x3FB4];
	_ =	sdelay $0x3  }
0x33: {  	p0 =	seq.s32 s10, $0x1;
	s10 =	sld [smem:$0x3FB6];
	_ =	sdelay $0x3  }
0x34: {  	[smem:$0x3FB6] =	sst s10  }
0x35: {  	s10 =	sld [smem:$0x3FB5];
	_ =	sdelay $0x3  }
0x36: {  	p1 =	seq.s32 s10, $0x1;
	s10 =	sld [smem:$0x3FB6];
	_ =	sdelay $0x3  }
0x37: {  	[smem:$0x3FB6] =	sst s10  }
0x38: {  	s10 =	sld [smem:$0x3FB7]  }
0x39: {  	_ = 	snop;
	(pc) =	sbr.ind lr, $3  }
0x3a: {  	_ = 	snop  }
0x3b: {  	_ = 	snop  }
0x3c: {  	p2 =	seq.s32 s10, $0x1;
	s10 =	sld [smem:$0x3FB6]  }
0x3d: {  	_ =	shalt  }
0x3e: {  	_ =	shalt  }
0x3f: {  	_ =	shalt  }
0x40: {  	_ =	shalt  }
0x41: {  	_ =	shalt  }
0x42: {  	_ =	shalt  }
0x43: {  	_ =	shalt  }
0x44: {  	_ =	shalt  }
0x45: {  	_ =	shalt  }
0x46: {  	_ =	shalt  }
0x47: {  	_ =	shalt  }
0x48: {  	_ =	shalt  }
0x49: {  	_ =	shalt  }
0x4a: {  	_ =	shalt  }
0x4b: {  	_ =	shalt  }
0x4c: {  	_ =	shalt  }
0x4d: {  	_ =	shalt  }
0x4e: {  	_ =	shalt  }
0x4f: {  	_ =	shalt  }
0x50: {  	_ =	shalt  }
0x51: {  	_ =	shalt  }
0x52: {  	_ =	shalt  }
0x53: {  	_ =	shalt  }
0x54: {  	_ =	shalt  }
0x55: {  	_ =	shalt  }
0x56: {  	_ =	shalt  }
0x57: {  	_ =	shalt  }
0x58: {  	_ =	shalt  }
0x59: {  	_ =	shalt  }
0x5a: {  	_ =	shalt  }
0x5b: {  	_ =	shalt  }
0x5c: {  	_ =	shalt  }
0x5d: {  	_ =	shalt  }
0x5e: {  	_ =	shalt  }
0x5f: {  	_ =	shalt  }
0x60: {  	_ =	shalt  }
0x61: {  	_ =	shalt  }
0x62: {  	_ =	shalt  }
0x63: {  	_ =	shalt  }
0x64: {  	_ =	shalt  }
0x65: {  	_ =	shalt  }
0x66: {  	_ =	shalt  }
0x67: {  	_ =	shalt  }
0x68: {  	_ =	shalt  }
0x69: {  	_ =	shalt  }
0x6a: {  	_ =	shalt  }
0x6b: {  	_ =	shalt  }
0x6c: {  	_ =	shalt  }
0x6d: {  	_ =	shalt  }
0x6e: {  	_ =	shalt  }
0x6f: {  	_ =	shalt  }
0x70: {  	_ =	shalt  }
0x71: {  	_ =	shalt  }
0x72: {  	_ =	shalt  }
0x73: {  	_ =	shalt  }
0x74: {  	_ =	shalt  }
0x75: {  	_ =	shalt  }
0x76: {  	_ =	shalt  }
0x77: {  	_ =	shalt  }
0x78: {  	_ =	shalt  }
0x79: {  	_ =	shalt  }
0x7a: {  	_ =	shalt  }
0x7b: {  	_ =	shalt  }
0x7c: {  	_ =	shalt  }
0x7d: {  	_ =	shalt  }
0x7e: {  	_ =	shalt  }
0x7f: {  	_ =	shalt  }
0x80: {  	_ =	shalt  }
0x81: {  	_ =	shalt  }
0x82: {  	_ =	shalt  }
0x83: {  	_ =	shalt  }
0x84: {  	_ =	shalt  }
0x85: {  	_ =	shalt  }
0x86: {  	_ =	shalt  }
0x87: {  	_ =	shalt  }
.Lfunc_end0:
.L_simem_size_0:
called_computation.2_lowered:
.L_overlay_start_0:
0x88: {  	s2 =	sld [smem:$0x3FD9]  }
0x89: {  	s3 =	sld [smem:$0x3FFE];
	_ =	sdelay $0x1  }
0x8a: {  	s1 =	srdreg.scid  }
0x8b: {  	s0 =	sand.u32 $0x1, s1  }
0x8c: {  	s17 =	sshll.u32 s0, $0xA;
	s2 =	sadd.s32 s3, s2  }
0x8d: {  	s2 =	sadd.s32 s2, s17  }
0x8e: {  	[smem:$0x3FC2] =	sst s2  }
0x8f: {  	_ = 	snop  }
0x90: {  	s2 =	sld [smem:$0x3FD0];
	(tm) =	ssettm $0x1  }
0x91: {  	s18 =	sld [smem:$0x3FFB];
	_ =	sdelay $0x3  }
0x92: {  	_ =	strace s18  }
0x93: {  	s3 =	sld [smem:$0x3FFC];
	_ =	sdelay $0x3  }
0x94: {  	_ =	strace s3  }
0x95: {  	s3 =	sld [smem:$0x3FFD];
	_ =	sdelay $0x3  }
0x96: {  	_ =	strace s3  }
0x97: {  	_ =	strace $0x8FFFFFFF  }
0x98: {  	s19 =	sld [smem:$0x3FDB];
	_ =	sdelay $0x1  }
0x99: {  	s4 =	simm.s32 $_scs_section_size  }
0x9a: {  	s5 =	simm.s32 $_size__tile_overlayer_lowered;
	s6 =	simm.s32 $_tile_overlayer_lowered  }
0x9b: {  	s22 =	simm.s32 $0x1BFF;
	s21 =	sshll.u32 s6, $0x1;
	s3 =	sadd.s32 s4, s19  }
0x9c: {  	s7 =	simm.s32 $0x0;
	s20 =	sshll.u32 s5, $0x1;
	s5 =	sadd.s32 s21, s3  }
0x9d: {  	[timem:s7], [sflag:s22] =	dma.local [hbm:s5], s20  }
0x9e: {  	_ =	swait.ge [sflag:s22], s20  }
0x9f: {  	s4 =	ssub.s32 $0x0, s20;
	[sflag:s22] =	ssyncset.done $0x0  }
0xa0: {  	[sflag:s22] =	ssyncadd.s32 s4;
	_ =	sdelay $0x1  }
0xa1: {  	s23 =	simm.s32 $0x1B8B  }
0xa2: {  	_ =	swait.ge [sflag:s23], $0x1  }
0xa3: {  	[sflag:s23] =	ssyncset.done $0x0  }
0xa4: {  	s25 =	simm.s32 $0x1B8E;
	s24 =	sld [smem:$0x3FFE];
	[sflag:s23] =	ssyncadd.s32 $0xFFFFFFFF  }
0xa5: {  	s26 =	simm.s32 $execute0_lowered;
	[smem:$0x3FD2] =	sst s25  }
0xa6: {  	s5 =	sshll.u32 s26, $0x1;
	_ =	strace $0x8000004C;
	[dreg:$0x1] =	wrdreg $0xFFFFFFFF  }
0xa7: {  	s28 =	simm.s32 $_size_execute0_lowered;
	s3 =	sadd.s32 s3, s5;
	[dreg:$0x0] =	wrdreg $0x0  }
0xa8: {  	s5 =	sshll.u32 s28, $0x1;
	[dreg:$0x2] =	wrdreg s3  }
0xa9: {  	[dreg:$0x3] =	wrdreg s5  }
0xaa: {  	[dreg:$0x4] =	wrdreg $0xC0  }
0xab: {  	_ =	task [dreg:s7], $0x5FFFF  }
0xac: {  	[dreg:$0x1] =	wrdreg $0xFFFFFFFF  }
0xad: {  	[dreg:$0x0] =	wrdreg $0x60  }
0xae: {  	[dreg:$0x2] =	wrdreg s2  }
0xaf: {  	[dreg:$0x3] =	wrdreg s24  }
0xb0: {  	[dreg:$0x4] =	wrdreg $0x0  }
0xb1: {  	[dreg:$0x5] =	wrdreg $0x9  }
0xb2: {  	_ =	task.clear_ibuf [dreg:s7], $0x6FFFF;
	_ =	strace $0x9000004C  }
0xb3: {  	s29 =	simm.s32 $0x9;
	_ =	strace $0x8000004E  }
0xb4: {  	_ =	swait.ge [sflag:s29], $0x1  }
0xb5: {  	[sflag:s29] =	ssyncadd.s32 $0xFFFFFFFF  }
0xb6: {  	_ =	strace $0x9000004E  }
0xb7: {  	_ =	sfence  }
0xb8: {  	s30 =	sld [smem:$0x0];
	_ =	sdelay $0x2  }
0xb9: {  	s31 =	sshll.u32 s1, $0xD;
	s1 =	sshrl.u32 s1, $0x2  }
0xba: {  	s3 =	sand.u32 $0x4000, s31;
	s1 =	sadd.s32 s1, s30  }
0xbb: {  	s0 =	sor.u32 s3, s0;
	s1 =	sshll.u32 s1, $0x11  }
0xbc: {  	s0 =	sor.u32 s1, s0  }
0xbd: {  	s0 =	sadd.s32 $0x8F2B, s0  }
0xbe: {  	[sflag:s0] =	ssyncadd.remote.s32 $0x1  }
0xbf: {  	_ =	sfence.sel $0xFFFF  }
0xc0: {  	[dreg:$0x0] =	wrdreg $0xFFFFFFFF;
	(pc) =	sbr.abs _section_cstart, $3  }
0xc1: {  	[dreg:$0x1] =	wrdreg $0xFFFFFFFF  }
0xc2: {  	_ =	task.clear_ibuf [dreg:s7], $0x2FFFF;
	_ =	strace $0x9FFFFFFF  }
0xc3: {  	(tm) =	ssettm $0x7FFFFFFF  }
tec
execute0_lowered:
.L_overlay_start_1:
0x0: {  	(tag) =	ssettag $0x1  }
0x1: {  	s1 =	rddreg [dreg:$0x0]  }
0x2: {  	s0 =	rddreg [dreg:$0x1]  }
0x3: {  	s3 =	rddreg [dreg:$0x2];
	s4 =	simm.s32 $0x0  }
0x4: {  	s14 =	stileid.u32;
	s2 =	srdreg.scid;
	s28 =	simm.s32 $0x13900  }
0x5: {  	s29 =	simm.s32 $0x18080;
	s30 =	simm.s32 $0x5;
	s31 =	simm.s32 $0x6  }
0x6: {  	[smem:$0x7FF] =	sst s4;
	s6 =	smul.u32 $0x2700, s14;
	s2 =	sand.u32 $0x1, s2  }
0x7: {  	s8 =	smul.u32 $0x4E000, s14;
	s5 =	sadd.s32 $0x2800, s0;
	s11 =	sadd.s32 $0x51A00, s0  }
0x8: {  	s22 =	smul.u32 $0x13800, s14;
	s12 =	sadd.s32 $0x24900, s1;
	s23 =	sadd.s32 $0x4F100, s0  }
0x9: {  	s13 =	sadd.s32 $0x16800, s0;
	p0 =	seq.s32 s14, $0xF;
	_ =	strace $0x8000004D  }
0xa: {  	s7 =	ssub.s32 $0x2, s2;
	p2 =	seq.s32 s2, $0x1;
	[dreg:$0x7] =	wrdreg s12  }
0xb: {  	s21 =	sshll.u32 s2, $0x4;
	s2 =	smul.u32 $0x138800, s2;
	[dreg:$0x8] =	wrdreg s23  }
0xc: {  	s23 =	simm.s32 $0x13880;
	s9 =	sadd.s32 s6, s0;
	s10 =	sshrl.u32 s7, $0x1  }
0xd: {  	s8 =	sshrl.u32 s8, $0x2;
	s6 =	sadd.s32 s1, s6;
	p1 =	por !p2, !p0  }
0xe: {  	p5 =	por !p2, p0;
	p3 =	por p2, !p0;
	p4 =	por p2, p0  }
0xf: {  	s7 =	ssub.s32 s7, s10;
	s10 =	sadd.s32 s8, s3;
	[dreg:$0x4] =	wrdreg s6  }
0x10: {  	s20 =	sadd.s32 $0x2A800, s9;
	s9 =	sadd.s32 $0x124800, s3;
	s6 =	sor.u32 s14, s21  }
0x11: {  	s24 =	sadd.s32 s22, s2;
	s2 =	sshrl.u32 s2, $0x3;
	[dreg:$0x5] =	wrdreg s20  }
0x12: {  	s12 =	smul.u32 $0x5, s6;
	s0 =	sshrl.u32 s24, $0x3;
	s2 =	sadd.s32 s11, s2  }
0x13: {  	s26 =	smax.u32 s7, $0x1;
	[dreg:$0x6] =	wrdreg s9;
	s20 =	smov.u32 s10  }
0x14: {  	s22 =	sshrl.u32 @!p4 s10, $0x3;
	s0 =	sadd.s32 s11, s0;
	[dreg:$0xb] =	wrdreg s26  }
0x15: {  	s24 =	simm.s32 $0x7;
	s25 =	sadd.s32 $0x24900, s2;
	[dreg:$0x9] =	wrdreg s0  }
0x16: {  	s2 =	sshrl.u32 @!p3 s9, $0x3;
	s26 =	simm.s32 $0x15880;
	[dreg:$0xa] =	wrdreg s25  }
0x17: {  	s0 =	sshrl.u32 @!p1 s9, $0x3;
	[dreg:$0xd] =	wrdreg s2;
	s2 =	simm.s32 @!p5 $0x0  }
0x18: {  	[dreg:$0xc] =	wrdreg s0;
	s0 =	sshll.u32 @!p5 s14, $0x6;
	s2 =	simm.s32 @p5 $0x1  }
0x19: {  	s25 =	simm.s32 $0x50;
	s0 =	sor.u32 @!p5 $0x1C07, s0;
	[smem:$0x7FD] =	sst s2  }
0x1a: {  	s2 =	sshrl.u32 @!p5 s10, $0x3;
	[dreg:$0xe] =	wrdreg s0;
	s0 =	sshll.u32 @!p4 s14, $0x6  }
0x1b: {  	[dreg:$0xf] =	wrdreg s2;
	s21 =	sor.u32 @!p4 $0x1C07, s0;
	s0 =	simm.s32 $0x4  }
.LBB2_1:
0x1c: {  	s6 =	rddreg [dreg:$0x8]  }
0x1d: {  	s2 =	simm.s32 @!p1 $0x1FC7;
	s7 =	rddreg [dreg:$0xc]  }
0x1e: {  	[spmem:s7], [sflag:s2] =	dma.local @!p1 [hbm:s6], $0x2800  }
0x1f: {  	s2 =	simm.s32 @!p1 $0x7  }
0x20: {  	_ =	swait.ge @!p1 [sflag:s2], $0x2800  }
0x21: {  	[sflag:s2] =	ssyncset.done @!p1 $0x0;
	s6 =	rddreg [dreg:$0x7]  }
0x22: {  	s7 =	rddreg [dreg:$0xd];
	[sflag:s2] =	ssyncadd.s32 @!p1 $0xFFFFD800;
	s2 =	simm.s32 @!p3 $0x1FC7  }
0x23: {  	[spmem:s7], [sflag:s2] =	dma.local @!p3 [hbm:s6], $0x2800  }
0x24: {  	s2 =	simm.s32 @!p3 $0x7  }
0x25: {  	_ =	swait.ge @!p3 [sflag:s2], $0x2800  }
0x26: {  	s19 =	sld [smem:$0x7FD]  }
0x27: {  	s6 =	rddreg [dreg:$0xe]  }
0x28: {  	[sflag:s2] =	ssyncset.done @!p3 $0x0;
	s7 =	rddreg [dreg:$0xf]  }
0x29: {  	[sflag:s2] =	ssyncadd.s32 @!p3 $0xFFFFD800;
	s2 =	rddreg [dreg:$0x5];
	p2 =	seq.s32 s19, $0x1  }
0x2a: {  	[spmem:s7], [sflag:s6] =	dma.local @!p2 [hbm:s2], $0x2700  }
0x2b: {  	s2 =	simm.s32 @!p2 $0x7  }
0x2c: {  	_ =	swait.ge @!p2 [sflag:s2], $0x2700  }
0x2d: {  	[sflag:s2] =	ssyncset.done @!p2 $0x0  }
0x2e: {  	[sflag:s2] =	ssyncadd.s32 @!p2 $0xFFFFD900;
	s2 =	rddreg [dreg:$0x4]  }
0x2f: {  	[spmem:s22], [sflag:s21] =	dma.local @!p4 [hbm:s2], $0x2700  }
0x30: {  	s2 =	simm.s32 @!p4 $0x7  }
0x31: {  	_ =	swait.ge @!p4 [sflag:s2], $0x2700  }
0x32: {  	[sflag:s2] =	ssyncset.done @!p4 $0x0  }
0x33: {  	[sflag:s2] =	ssyncadd.s32 @!p4 $0xFFFFD900  }
0x34: {  	s2 =	simm.s32 $0x0;
	[bflag:$0x0] =	sbarrier.arrive $0xFFFF  }
.LBB2_2:
0x35: {  	s6 =	sadd.s32 s12, s2  }
0x36: {  	s6 =	sshll.u32 s6, $0x9  }
0x37: {  	s8 =	simm.s32 $0x0;
	s7 =	sadd.s32 s5, s6  }
0x38: {  	[tilespmem:s23], [sflag:$0x7] =	stream.linear.gather [hbm4b:s7+s8], $0xC80, $0x38;
	[tilespmem:$0x1D080] =	vst v63  }
0x39: {  	_ =	swait.ge [sflag:s24], $0xC80  }
0x3a: {  	s9 =	simm.s32 $0x14880;
	p5 =	por $0x0, $0x0;
	[sflag:s24] =	ssyncset.done $0x0  }
0x3b: {  	s19 =	smul.u32 $0xAB, s8;
	s6 =	sadd.s32 s6, s13;
	[sflag:s24] =	ssyncadd.s32 $0xFFFFF380  }
0x3c: {  	[tilespmem:s9], [sflag:$0x7] =	stream.linear.gather [hbm4b:s6+s8], $0xC80, $0x38;
	[tilespmem:$0x1D080] =	vst v63  }
0x3d: {  	s14 =	simm.s32 $0x13980;
	p2 =	por @!p5 $0x1, $0x1;
	s8 =	simm.s32 $0x2  }
0x3e: {  	s6 =	sshrl.u32 s19, $0x9;
	_ =	swait.ge [sflag:s24], $0xC80;
	s8 =	smul.u32 @!p5 $0xAB, s8  }
0x3f: {  	s7 =	simm.s32 $0x1;
	s6 =	sand.u32 $0x7F, s6;
	[sflag:s24] =	ssyncset.done $0x0  }
0x40: {  	s6 =	smul.u32 $0x3, s6;
	[sflag:s24] =	ssyncadd.s32 $0xFFFFF380;
	s8 =	sshrl.u32 @!p5 s8, $0x9  }
0x41: {  	[tilespmem:s26], [sflag:$0x1] =	stream.indirect.gather [hbm4b:s1+s25], $0x80, s23, s25, $0xb8;
	[tilespmem:$0x1D080] =	vst v63  }
0x42: {  	s11 =	smul.u32 $0xAB, s7;
	s10 =	ssub.s32 $0x0, s6;
	s8 =	sand.u32 @!p5 $0x7F, s8  }
0x43: {  	p6 =	por p2, p5;
	s10 =	sand.u32 $0xFF, s10;
	s8 =	smul.u32 @!p5 $0x3, s8  }
0x44: {  	[tilespmem:s29], [sflag:$0x2] =	stream.indirect.gather [hbm4b:s1+s25], $0x80, s28, s25, $0xb8;
	[tilespmem:$0x1D080] =	vst v63  }
0x45: {  	s6 =	simm.s32 $0x2;
	s15 =	smul.u32 $0xA000, s10;
	s16 =	sadd.s32 $0x1, s10  }
0x46: {  	s10 =	sor.u32 $0x4, s10;
	_ =	swait.ge [sflag:s16], $0x2800;
	s8 =	ssub.s32 @!p5 $0x2, s8  }
0x47: {  	s15 =	sshrl.u32 s15, $0x2;
	[sflag:s16] =	ssyncset.done $0x0;
	s8 =	sand.u32 @!p5 $0xFF, s8  }
0x48: {  	s15 =	sadd.s32 $0x15880, s15;
	[sflag:s16] =	ssyncadd.s32 $0xFFFFD800;
	s16 =	sadd.s32 @!p6 $0x4, s8  }
0x49: {  	[spmem:s3] =	stream.indirect.scatter.add.f32 [tilespmem:s15], [sflag:s10], $0x80, s9, s25, $0xb8;
	[tilespmem:$0x1D080] =	vst v63  }
0x4a: {  	s17 =	smul.u32 @!p5 $0xA000, s8;
	s10 =	simm.s32 $0x14900;
	s15 =	sadd.s32 @!p5 $0x1, s8  }
0x4b: {  	s9 =	simm.s32 @!p5 $0x50;
	s8 =	simm.s32 $0x13A00;
	_ =	swait.ge @!p6 [sflag:s16], $0x2800  }
.LBB2_3:
0x4c: {  	s18 =	sshrl.u32 s11, $0x9  }
0x4d: {  	[sflag:s16] =	ssyncset.done @!p6 $0x0;
	s17 =	sshrl.u32 @!p5 s17, $0x2;
	s19 =	smov.u32 s6  }
0x4e: {  	s11 =	smul.u32 $0xAB, s6;
	[sflag:s16] =	ssyncadd.s32 @!p6 $0xFFFFD800;
	s16 =	sadd.s32 @!p5 $0x15880, s17  }
0x4f: {  	[tilespmem:s16], [sflag:s15] =	stream.indirect.gather @!p5 [hbm4b:s1+s9], $0x80, s14, s9, $0xb8;
	[tilespmem:$0x1D080] =	vst v63  }
0x50: {  	s6 =	sadd.s32 $0x1, s6;
	s9 =	sand.u32 $0x7F, s18  }
0x51: {  	s15 =	sadd.s32 $0x2, s7;
	p5 =	sgt.u32 s7, $0x16;
	s9 =	smul.u32 $0x3, s9  }
0x52: {  	p2 =	sne.s32 s6, $0x19;
	s16 =	smul.u32 @!p5 $0xAB, s15  }
0x53: {  	s14 =	smov.u32 s8;
	p6 =	seq.s32 @!p5 s7, $0x0;
	s9 =	ssub.s32 s7, s9  }
0x54: {  	s7 =	smov.u32 s19;
	s16 =	sshrl.u32 @!p5 s16, $0x9;
	s9 =	sand.u32 $0xFF, s9  }
0x55: {  	s16 =	sand.u32 @!p5 $0x7F, s16;
	s17 =	smul.u32 $0xA000, s9  }
0x56: {  	s18 =	sadd.s32 $0x1, s9;
	s16 =	smul.u32 @!p5 $0x3, s16  }
0x57: {  	p6 =	por p6, p5;
	s9 =	sor.u32 $0x4, s9;
	_ =	swait.ge [sflag:s18], $0x2800  }
0x58: {  	s17 =	sshrl.u32 s17, $0x2;
	s15 =	ssub.s32 @!p5 s15, s16;
	[sflag:s18] =	ssyncset.done $0x0  }
.Ltmp0:
0x59: {  	s17 =	sadd.s32 $0x15880, s17;
	[sflag:s18] =	ssyncadd.s32 $0xFFFFD800;
	(pc) =	sbr.rel @p2 .LBB2_3-.Ltmp0, $4  }
0x5a: {  	[spmem:s3] =	stream.indirect.scatter.add.f32 [tilespmem:s17], [sflag:s9], $0x80, s10, s25, $0xb8;
	[tilespmem:$0x1D080] =	vst v63  }
0x5b: {  	s9 =	sand.u32 @!p5 $0xFF, s15;
	s10 =	sadd.s32 $0x80, s10  }
0x5c: {  	s16 =	sadd.s32 @!p6 $0x4, s9;
	s17 =	smul.u32 @!p5 $0xA000, s9;
	s15 =	sadd.s32 @!p5 $0x1, s9  }
0x5d: {  	s8 =	sadd.s32 $0x80, s8;
	s9 =	simm.s32 @!p5 $0x50;
	_ =	swait.ge @!p6 [sflag:s16], $0x2800  }
0x5e: {  	[sflag:s16] =	ssyncset.done @!p6 $0x0;
	s6 =	sshrl.u32 @!p5 s17, $0x2;
	s11 =	sshrl.u32 s11, $0x9  }
0x5f: {  	[sflag:s16] =	ssyncadd.s32 @!p6 $0xFFFFD800;
	s6 =	sadd.s32 @!p5 $0x15880, s6;
	s16 =	sand.u32 $0x7F, s11  }
0x60: {  	[tilespmem:s6], [sflag:s15] =	stream.indirect.gather @!p5 [hbm4b:s1+s9], $0x80, s14, s9, $0xb8;
	[tilespmem:$0x1D080] =	vst v63  }
0x61: {  	p2 =	sgt.u32 s7, $0x16;
	s9 =	sadd.s32 $0x2, s7;
	s6 =	smul.u32 $0x3, s16  }
0x62: {  	s11 =	smul.u32 @!p2 $0xAB, s9  }
0x63: {  	s6 =	ssub.s32 s7, s6  }
0x64: {  	s6 =	sand.u32 $0xFF, s6;
	s11 =	sshrl.u32 @!p2 s11, $0x9  }
0x65: {  	s17 =	smul.u32 $0xA000, s6;
	s18 =	sadd.s32 $0x1, s6;
	s11 =	sand.u32 @!p2 $0x7F, s11  }
0x66: {  	p5 =	seq.s32 @!p2 s7, $0x0;
	_ =	swait.ge [sflag:s18], $0x2800;
	s7 =	smul.u32 @!p2 $0x3, s11  }
0x67: {  	s6 =	sor.u32 $0x4, s6;
	s19 =	sshrl.u32 s17, $0x2;
	[sflag:s18] =	ssyncset.done $0x0  }
0x68: {  	s11 =	sadd.s32 $0x15880, s19;
	[sflag:s18] =	ssyncadd.s32 $0xFFFFD800;
	s7 =	ssub.s32 @!p2 s9, s7  }
0x69: {  	[spmem:s3] =	stream.indirect.scatter.add.f32 [tilespmem:s11], [sflag:s6], $0x80, s10, s25, $0xb8;
	[tilespmem:$0x1D080] =	vst v63  }
0x6a: {  	p5 =	por p5, p2;
	s6 =	sand.u32 @!p2 $0xFF, s7  }
0x6b: {  	s7 =	sadd.s32 @!p5 $0x4, s6;
	s9 =	smul.u32 @!p2 $0xA000, s6  }
0x6c: {  	_ =	swait.ge @!p5 [sflag:s7], $0x2800  }
0x6d: {  	s10 =	simm.s32 @!p2 $0x50;
	[sflag:s7] =	ssyncset.done @!p5 $0x0;
	s9 =	sshrl.u32 @!p2 s9, $0x2  }
0x6e: {  	s6 =	sadd.s32 @!p2 $0x1, s6;
	[sflag:s7] =	ssyncadd.s32 @!p5 $0xFFFFD800;
	s7 =	sadd.s32 @!p2 $0x15880, s9  }
0x6f: {  	[tilespmem:s7], [sflag:s6] =	stream.indirect.gather @!p2 [hbm4b:s1+s10], $0x80, s8, s10, $0xb8;
	[tilespmem:$0x1D080] =	vst v63  }
0x70: {  	_ =	swait.ge [sflag:s30], $0x2800  }
0x71: {  	[sflag:s30] =	ssyncset.done $0x0  }
0x72: {  	s2 =	sadd.s32 $0x1, s2;
	[sflag:s30] =	ssyncadd.s32 $0xFFFFD800  }
0x73: {  	p2 =	sne.s32 s2, $0x5;
	_ =	swait.ge [sflag:s31], $0x2800  }
.Ltmp1:
0x74: {  	[sflag:s31] =	ssyncset.done $0x0;
	(pc) =	sbr.rel @p2 .LBB2_2-.Ltmp1, $4  }
0x75: {  	[sflag:s31] =	ssyncadd.s32 $0xFFFFD800  }
0x76: {  	_ =	swait.ge [sflag:s0], $0x2800  }
0x77: {  	[sflag:s0] =	ssyncset.done $0x0  }
0x78: {  	[sflag:s0] =	ssyncadd.s32 $0xFFFFD800  }
0x79: {  	[bflag:$0x0] =	sbarrier.arrive $0xFFFF  }
0x7a: {  	s2 =	rddreg [dreg:$0x6]  }
0x7b: {  	s6 =	simm.s32 @p0 $0x1FC7;
	s7 =	rddreg [dreg:$0xa];
	s2 =	sshrl.u32 @p0 s2, $0x3  }
0x7c: {  	[hbm:s7], [sflag:s6] =	dma.local @p0 [spmem:s2], $0x2800  }
0x7d: {  	s2 =	simm.s32 @p0 $0x7  }
0x7e: {  	s6 =	stileid.u32;
	_ =	swait.ge @p0 [sflag:s2], $0x2800  }
0x7f: {  	s6 =	sshll.u32 @!p0 s6, $0x6;
	[sflag:s2] =	ssyncset.done @p0 $0x0;
	s7 =	rddreg [dreg:$0x9]  }
0x80: {  	[sflag:s2] =	ssyncadd.s32 @p0 $0xFFFFD800;
	s2 =	sor.u32 @!p0 $0x1C07, s6;
	s6 =	sshrl.u32 @!p0 s20, $0x3  }
0x81: {  	[hbm:s7], [sflag:s2] =	dma.local @!p0 [spmem:s6], $0x2700  }
0x82: {  	s2 =	simm.s32 @!p0 $0x7  }
0x83: {  	_ =	swait.ge @!p0 [sflag:s2], $0x2700  }
0x84: {  	s4 =	sadd.s32 $0x1, s4;
	s19 =	rddreg [dreg:$0xb]  }
0x85: {  	p2 =	sne.s32 s4, s19  }
.Ltmp2:
0x86: {  	_ = 	snop;
	(pc) =	sbr.rel @p2 .LBB2_1-.Ltmp2, $3  }
0x87: {  	_ =	sdelay $0x1  }
0x88: {  	[sflag:s2] =	ssyncset.done @!p0 $0x0  }
0x89: {  	[sflag:s2] =	ssyncadd.s32 @!p0 $0xFFFFD900  }
0x8a: {  	_ =	sfence.sel $0x180000  }
0x8b: {  	[bflag:$0x0] =	sbarrier.arrive $0xFFFF  }
0x8c: {  	_ =	strace $0x9000004D  }
0x8d: {  	s0 =	stileid.u32;
	[bflag:$0x2] =	sbarrier.arrive $0xFFFF  }
0x8e: {  	p0 =	sne.s32 s0, $0x0;
	s0 =	rddreg [dreg:$0x3]  }
0x8f: {  	s0 =	sadd.s32 @!p0 $0x100000, s0  }
0x90: {  	[sflag:s0] =	ssyncadd.tile.s32 @!p0 $0x1;
	_ =	shalt  }
.Lfunc_end2:
_tile_overlayer_lowered:
.L_overlay_start_2:
0x91: {  	(tag) =	ssettag $0x2  }
0x92: {  	s0 =	rddreg [dreg:$0x0];
	s2 =	stileid.u32  }
0x93: {  	s1 =	rddreg [dreg:$0x1];
	p0 =	sne.s32 s2, $0x0  }
0x94: {  	s3 =	rddreg [dreg:$0x2];
	[bflag:$0x3] =	sbarrier.arrive $0xFFFF;
	s2 =	simm.s32 @!p0 $0x1C07  }
0x95: {  	[timem:s3], [sflag:s2] =	dma.local @!p0 [hbm:s0], s1  }
0x96: {  	s0 =	simm.s32 @!p0 $0x7  }
0x97: {  	_ =	swait.ge @!p0 [sflag:s0], s1  }
0x98: {  	s1 =	ssub.s32 @!p0 $0x0, s1;
	[sflag:s0] =	ssyncset.done @!p0 $0x0  }
0x99: {  	[sflag:s0] =	ssyncadd.s32 @!p0 s1  }
0x9a: {  	[bflag:$0x3] =	sbarrier.arrive $0xFFFF  }
0x9b: {  	_ =	shalt  }

// kernel: kernel.9.cloned.1.call-start
scs
__scs_entry_jumppad:
0x0: {  	(pc) =	sbr.rel $0x88, $3  }
0x1: {  	(tag) =	ssettag $0x0;
	lr =	simm.s32 $0x1  }
0x2: {  	[smem:$0x3F9B] =	sst lr;
	_ =	strace $0xD0000000  }
0x3: {  	_ = 	snop  }
0x4: {  	_ = 	snop  }
0x5: {  	_ = 	snop  }
0x6: {  	_ = 	snop  }
0x7: {  	_ = 	snop  }
__scs_overlays_trampoline_lowered:
0x8: {  	[smem:$0x3FAA] =	sst s0  }
0x9: {  	[smem:$0x3FAB] =	sst s1  }
0xa: {  	[smem:$0x3FAC] =	sst s2  }
0xb: {  	[smem:$0x3FAD] =	sst s3  }
0xc: {  	[smem:$0x3FAE] =	sst s4  }
0xd: {  	[smem:$0x3FAF] =	sst s5  }
0xe: {  	[smem:$0x3FB0] =	sst s6  }
0xf: {  	[smem:$0x3FB1] =	sst s7  }
0x10: {  	[smem:$0x3FB2] =	sst s8  }
0x11: {  	[smem:$0x3FB3] =	sst s9;
	s0 =	simm.s32 @!p0 $0x0  }
0x12: {  	s1 =	sld [smem:$0x3F99];
	s0 =	simm.s32 @p0 $0x1  }
0x13: {  	[smem:$0x3FB4] =	sst s0;
	s0 =	simm.s32 @!p1 $0x0  }
0x14: {  	s2 =	sld [smem:$0x3F98];
	s0 =	simm.s32 @p1 $0x1  }
0x15: {  	[smem:$0x3FB5] =	sst s0;
	s0 =	simm.s32 @!p2 $0x0  }
0x16: {  	s3 =	sld [smem:$0x3FDB];
	s0 =	simm.s32 @p2 $0x1  }
0x17: {  	s4 =	simm.s32 $0x1BF5;
	[smem:$0x3FB7] =	sst s0  }
0x18: {  	s0 =	sld [smem:$0x3F9A];
	_ =	swait.ge [sflag:s4], $0x0  }
0x19: {  	s7 =	sld [smem:$0x3F9B]  }
0x1a: {  	s8 =	sadd.s32 $0xFFFFE003, lr  }
0x1b: {  	s9 =	sadd.s32 $0xFFFFFEF7, lr;
	s5 =	simm.s32 $0xFFFFFFFF;
	p2 =	slt.u32 s8, $0xFFFFF086  }
0x1c: {  	p1 =	slt.u32 s9, $0xF7A;
	s5 =	simm.s32 @!p2 $0x0  }
0x1d: {  	s5 =	simm.s32 @p1 $0x1;
	p0 =	seq.s32 s7, s2  }
0x1e: {  	s7 =	smul.u32 @!p0 $0xF7A, s2;
	p2 =	seq.s32 @!p0 s5, $0x0  }
0x1f: {  	s9 =	smul.u32 $0xF7A, s1;
	s8 =	simm.s32 @!p0 $0x1BF5;
	p2 =	por !p2, p0  }
0x20: {  	[sflag:s8] =	ssyncset.s32 @!p0 $0xFFFFF086;
	s6 =	sadd.s32 @!p0 s3, s7;
	s7 =	simm.s32 @!p0 $0x108  }
0x21: {  	s3 =	sadd.s32 s3, s9;
	s6 =	sadd.s32 @!p0 $0x88, s6;
	s7 =	simm.s32 @p2 $0x1082  }
0x22: {  	[simem:s7], [sflag:s8] =	dma.local @!p0 [hbm:s6], $0xF7A  }
0x23: {  	s9 =	sor.u32 $0xD0000000, s2;
	s6 =	simm.s32 $0x108;
	_ =	swait.ge @!p0 [sflag:s8], $0x0  }
0x24: {  	s3 =	sadd.s32 $0x88, s3;
	s6 =	simm.s32 @!p1 $0x1082;
	[sflag:s4] =	ssyncset.s32 $0xFFFFF086  }
0x25: {  	[simem:s6], [sflag:s4] =	dma.local [hbm:s3], $0xF7A  }
0x26: {  	[smem:$0x3F9B] =	sst s1;
	(tag) =	ssettag s2;
	_ =	strace s9  }
0x27: {  	s1 =	sld [smem:$0x3FAB]  }
0x28: {  	s2 =	sld [smem:$0x3FAC]  }
0x29: {  	s4 =	sld [smem:$0x3FAE]  }
0x2a: {  	p0 =	seq.s32 s5, $0x0;
	s5 =	sld [smem:$0x3FAF]  }
0x2b: {  	s6 =	sld [smem:$0x3FB0]  }
0x2c: {  	s7 =	sld [smem:$0x3FB1]  }
0x2d: {  	s3 =	simm.s32 $0x108;
	s8 =	sld [smem:$0x3FB2]  }
0x2e: {  	s3 =	simm.s32 @!p0 $0x1082;
	s9 =	sld [smem:$0x3FB3]  }
0x2f: {  	lr =	sadd.s32 s0, s3;
	s0 =	sld [smem:$0x3FAA]  }
0x30: {  	s3 =	sld [smem:$0x3FAD]  }
0x31: {  	[smem:$0x3FB6] =	sst s10  }
0x32: {  	s10 =	sld [smem:$0x3FB4];
	_ =	sdelay $0x3  }
0x33: {  	p0 =	seq.s32 s10, $0x1;
	s10 =	sld [smem:$0x3FB6];
	_ =	sdelay $0x3  }
0x34: {  	[smem:$0x3FB6] =	sst s10  }
0x35: {  	s10 =	sld [smem:$0x3FB5];
	_ =	sdelay $0x3  }
0x36: {  	p1 =	seq.s32 s10, $0x1;
	s10 =	sld [smem:$0x3FB6];
	_ =	sdelay $0x3  }
0x37: {  	[smem:$0x3FB6] =	sst s10  }
0x38: {  	s10 =	sld [smem:$0x3FB7]  }
0x39: {  	_ = 	snop;
	(pc) =	sbr.ind lr, $3  }
0x3a: {  	_ = 	snop  }
0x3b: {  	_ = 	snop  }
0x3c: {  	p2 =	seq.s32 s10, $0x1;
	s10 =	sld [smem:$0x3FB6]  }
0x3d: {  	_ =	shalt  }
0x3e: {  	_ =	shalt  }
0x3f: {  	_ =	shalt  }
0x40: {  	_ =	shalt  }
0x41: {  	_ =	shalt  }
0x42: {  	_ =	shalt  }
0x43: {  	_ =	shalt  }
0x44: {  	_ =	shalt  }
0x45: {  	_ =	shalt  }
0x46: {  	_ =	shalt  }
0x47: {  	_ =	shalt  }
0x48: {  	_ =	shalt  }
0x49: {  	_ =	shalt  }
0x4a: {  	_ =	shalt  }
0x4b: {  	_ =	shalt  }
0x4c: {  	_ =	shalt  }
0x4d: {  	_ =	shalt  }
0x4e: {  	_ =	shalt  }
0x4f: {  	_ =	shalt  }
0x50: {  	_ =	shalt  }
0x51: {  	_ =	shalt  }
0x52: {  	_ =	shalt  }
0x53: {  	_ =	shalt  }
0x54: {  	_ =	shalt  }
0x55: {  	_ =	shalt  }
0x56: {  	_ =	shalt  }
0x57: {  	_ =	shalt  }
0x58: {  	_ =	shalt  }
0x59: {  	_ =	shalt  }
0x5a: {  	_ =	shalt  }
0x5b: {  	_ =	shalt  }
0x5c: {  	_ =	shalt  }
0x5d: {  	_ =	shalt  }
0x5e: {  	_ =	shalt  }
0x5f: {  	_ =	shalt  }
0x60: {  	_ =	shalt  }
0x61: {  	_ =	shalt  }
0x62: {  	_ =	shalt  }
0x63: {  	_ =	shalt  }
0x64: {  	_ =	shalt  }
0x65: {  	_ =	shalt  }
0x66: {  	_ =	shalt  }
0x67: {  	_ =	shalt  }
0x68: {  	_ =	shalt  }
0x69: {  	_ =	shalt  }
0x6a: {  	_ =	shalt  }
0x6b: {  	_ =	shalt  }
0x6c: {  	_ =	shalt  }
0x6d: {  	_ =	shalt  }
0x6e: {  	_ =	shalt  }
0x6f: {  	_ =	shalt  }
0x70: {  	_ =	shalt  }
0x71: {  	_ =	shalt  }
0x72: {  	_ =	shalt  }
0x73: {  	_ =	shalt  }
0x74: {  	_ =	shalt  }
0x75: {  	_ =	shalt  }
0x76: {  	_ =	shalt  }
0x77: {  	_ =	shalt  }
0x78: {  	_ =	shalt  }
0x79: {  	_ =	shalt  }
0x7a: {  	_ =	shalt  }
0x7b: {  	_ =	shalt  }
0x7c: {  	_ =	shalt  }
0x7d: {  	_ =	shalt  }
0x7e: {  	_ =	shalt  }
0x7f: {  	_ =	shalt  }
0x80: {  	_ =	shalt  }
0x81: {  	_ =	shalt  }
0x82: {  	_ =	shalt  }
0x83: {  	_ =	shalt  }
0x84: {  	_ =	shalt  }
0x85: {  	_ =	shalt  }
0x86: {  	_ =	shalt  }
0x87: {  	_ =	shalt  }
.Lfunc_end0:
.L_simem_size_0:
called_computation_lowered:
.L_overlay_start_0:
0x88: {  	s2 =	sld [smem:$0x3FD9]  }
0x89: {  	s3 =	sld [smem:$0x3FFE];
	_ =	sdelay $0x1  }
0x8a: {  	s1 =	srdreg.scid  }
0x8b: {  	s0 =	sand.u32 $0x1, s1  }
0x8c: {  	s17 =	sshll.u32 s0, $0xA;
	s2 =	sadd.s32 s3, s2  }
0x8d: {  	s2 =	sadd.s32 s2, s17  }
0x8e: {  	[smem:$0x3FC2] =	sst s2  }
0x8f: {  	_ = 	snop  }
0x90: {  	s2 =	sld [smem:$0x3FD0];
	(tm) =	ssettm $0x1  }
0x91: {  	s18 =	sld [smem:$0x3FFB];
	_ =	sdelay $0x3  }
0x92: {  	_ =	strace s18  }
0x93: {  	s3 =	sld [smem:$0x3FFC];
	_ =	sdelay $0x3  }
0x94: {  	_ =	strace s3  }
0x95: {  	s3 =	sld [smem:$0x3FFD];
	_ =	sdelay $0x3  }
0x96: {  	_ =	strace s3  }
0x97: {  	_ =	strace $0x8FFFFFFF  }
0x98: {  	s19 =	sld [smem:$0x3FDB];
	_ =	sdelay $0x1  }
0x99: {  	s4 =	simm.s32 $_scs_section_size  }
0x9a: {  	s5 =	simm.s32 $_size__tile_overlayer_lowered;
	s6 =	simm.s32 $_tile_overlayer_lowered  }
0x9b: {  	s22 =	simm.s32 $0x1BFF;
	s21 =	sshll.u32 s6, $0x1;
	s3 =	sadd.s32 s4, s19  }
0x9c: {  	s7 =	simm.s32 $0x0;
	s20 =	sshll.u32 s5, $0x1;
	s5 =	sadd.s32 s21, s3  }
0x9d: {  	[timem:s7], [sflag:s22] =	dma.local [hbm:s5], s20  }
0x9e: {  	_ =	swait.ge [sflag:s22], s20  }
0x9f: {  	s4 =	ssub.s32 $0x0, s20;
	[sflag:s22] =	ssyncset.done $0x0  }
0xa0: {  	[sflag:s22] =	ssyncadd.s32 s4;
	_ =	sdelay $0x1  }
0xa1: {  	s23 =	simm.s32 $0x1B8B  }
0xa2: {  	_ =	swait.ge [sflag:s23], $0x1  }
0xa3: {  	[sflag:s23] =	ssyncset.done $0x0  }
0xa4: {  	s25 =	simm.s32 $0x1B8E;
	s24 =	sld [smem:$0x3FFE];
	[sflag:s23] =	ssyncadd.s32 $0xFFFFFFFF  }
0xa5: {  	s26 =	simm.s32 $execute0_lowered;
	[smem:$0x3FD2] =	sst s25  }
0xa6: {  	s5 =	sshll.u32 s26, $0x1;
	_ =	strace $0x80000046;
	[dreg:$0x1] =	wrdreg $0xFFFFFFFF  }
0xa7: {  	s28 =	simm.s32 $_size_execute0_lowered;
	s3 =	sadd.s32 s3, s5;
	[dreg:$0x0] =	wrdreg $0x0  }
0xa8: {  	s5 =	sshll.u32 s28, $0x1;
	[dreg:$0x2] =	wrdreg s3  }
0xa9: {  	[dreg:$0x3] =	wrdreg s5  }
0xaa: {  	[dreg:$0x4] =	wrdreg $0xC0  }
0xab: {  	_ =	task [dreg:s7], $0x5FFFF  }
0xac: {  	[dreg:$0x1] =	wrdreg $0xFFFFFFFF  }
0xad: {  	[dreg:$0x0] =	wrdreg $0x60  }
0xae: {  	[dreg:$0x2] =	wrdreg s24  }
0xaf: {  	[dreg:$0x3] =	wrdreg s2  }
0xb0: {  	[dreg:$0x4] =	wrdreg $0x0  }
0xb1: {  	[dreg:$0x5] =	wrdreg $0x9  }
0xb2: {  	_ =	task.clear_ibuf [dreg:s7], $0x6FFFF;
	_ =	strace $0x90000046  }
0xb3: {  	s29 =	simm.s32 $0x9;
	_ =	strace $0x80000048  }
0xb4: {  	_ =	swait.ge [sflag:s29], $0x1  }
0xb5: {  	[sflag:s29] =	ssyncadd.s32 $0xFFFFFFFF  }
0xb6: {  	_ =	strace $0x90000048  }
0xb7: {  	_ =	sfence  }
0xb8: {  	s30 =	sld [smem:$0x0];
	_ =	sdelay $0x2  }
0xb9: {  	s31 =	sshll.u32 s1, $0xD;
	s1 =	sshrl.u32 s1, $0x2  }
0xba: {  	s3 =	sand.u32 $0x4000, s31;
	s1 =	sadd.s32 s1, s30  }
0xbb: {  	s0 =	sor.u32 s3, s0;
	s1 =	sshll.u32 s1, $0x11  }
0xbc: {  	s0 =	sor.u32 s1, s0  }
0xbd: {  	s0 =	sadd.s32 $0x8F2B, s0  }
0xbe: {  	[sflag:s0] =	ssyncadd.remote.s32 $0x1  }
0xbf: {  	_ =	sfence.sel $0xFFFF  }
0xc0: {  	[dreg:$0x0] =	wrdreg $0xFFFFFFFF;
	(pc) =	sbr.abs _section_cstart, $3  }
0xc1: {  	[dreg:$0x1] =	wrdreg $0xFFFFFFFF  }
0xc2: {  	_ =	task.clear_ibuf [dreg:s7], $0x2FFFF;
	_ =	strace $0x9FFFFFFF  }
0xc3: {  	(tm) =	ssettm $0x7FFFFFFF  }
tec
execute0_lowered:
.L_overlay_start_1:
0x0: {  	(tag) =	ssettag $0x1  }
0x1: {  	s0 =	rddreg [dreg:$0x0];
	s1 =	srdreg.scid  }
0x2: {  	s5 =	rddreg [dreg:$0x1];
	s12 =	stileid.u32;
	s2 =	simm.s32 $0x0  }
0x3: {  	s16 =	simm.s32 $0x4278;
	s17 =	simm.s32 $0x5;
	s18 =	simm.s32 $0x5278  }
0x4: {  	s20 =	simm.s32 $0x50;
	s21 =	simm.s32 $0x2;
	s22 =	simm.s32 $0x3  }
0x5: {  	s23 =	simm.s32 $0x4;
	s24 =	simm.s32 $0x1;
	s4 =	sand.u32 $0x1, s1  }
0x6: {  	s25 =	simm.s32 $0x0;
	s1 =	rddreg [dreg:$0x2];
	s6 =	sshll.u32 s4, $0x4  }
0x7: {  	[smem:$0x7FF] =	sst s2;
	p0 =	sne.s32 s12, $0x0;
	s3 =	sor.u32 s12, s6  }
0x8: {  	_ =	strace $0x80000047;
	s4 =	ssub.s32 $0x2, s4;
	s7 =	smul.u32 $0x5000, s3  }
0x9: {  	s19 =	sshrl.u32 @!p0 s1, $0x3;
	s8 =	sadd.s32 s6, s0;
	s9 =	sshrl.u32 s4, $0x1  }
0xa: {  	s5 =	sadd.s32 s5, s6;
	s3 =	sadd.s32 $0x2A800, s0;
	s7 =	sshrl.u32 s7, $0x3  }
0xb: {  	s31 =	ssub.s32 s4, s9;
	s6 =	sadd.s32 $0x2AA00, s8;
	s0 =	sadd.s32 s0, s7  }
0xc: {  	s7 =	smax.u32 s31, $0x1;
	s4 =	sadd.s32 $0x16800, s0;
	s8 =	sadd.s32 $0x16A00, s0  }
0xd: {  	s9 =	sadd.s32 $0x16C00, s0;
	s10 =	sadd.s32 $0x16E00, s0;
	s11 =	sadd.s32 $0x17000, s0  }
.LBB2_1:
0xe: {  	s0 =	simm.s32 $0x278  }
0xf: {  	[tilespmem:s0], [sflag:$0x5] =	stream.linear.gather [hbm4b:s4+s2], $0xC80, $0x38;
	[tilespmem:$0x52F8] =	vst v63  }
0x10: {  	s12 =	simm.s32 $0x1278  }
0x11: {  	[tilespmem:s12], [sflag:$0x5] =	stream.linear.gather [hbm4b:s8+s2], $0xC80, $0x38;
	[tilespmem:$0x52F8] =	vst v63  }
0x12: {  	s13 =	simm.s32 $0x2278  }
0x13: {  	[tilespmem:s13], [sflag:$0x5] =	stream.linear.gather [hbm4b:s9+s2], $0xC80, $0x38;
	[tilespmem:$0x52F8] =	vst v63  }
0x14: {  	s14 =	simm.s32 $0x3278  }
0x15: {  	[tilespmem:s14], [sflag:$0x5] =	stream.linear.gather [hbm4b:s10+s2], $0xC80, $0x38;
	[tilespmem:$0x52F8] =	vst v63  }
0x16: {  	_ = 	snop  }
0x17: {  	[tilespmem:s16], [sflag:$0x5] =	stream.linear.gather [hbm4b:s11+s2], $0xC80, $0x38;
	[tilespmem:$0x52F8] =	vst v63  }
0x18: {  	_ =	swait.ge [sflag:s17], $0x3E80  }
0x19: {  	[sflag:s17] =	ssyncset.done $0x0  }
0x1a: {  	[sflag:s17] =	ssyncadd.s32 $0xFFFFC180  }
0x1b: {  	[tilespmem:s18], [sflag:$0x5] =	stream.linear.gather [hbm4b:s3+s2], $0x80, $0x38;
	[tilespmem:$0x52F8] =	vst v63  }
0x1c: {  	_ =	swait.ge [sflag:s17], $0x80  }
0x1d: {  	s26 =	simm.s32 @!p0 $0x10;
	s28 =	simm.s32 @!p0 $0x20;
	[sflag:s17] =	ssyncset.done $0x0  }
0x1e: {  	s29 =	simm.s32 @!p0 $0x1C05;
	s0 =	simm.s32 @!p0 $0x1;
	[sflag:s17] =	ssyncadd.s32 $0xFFFFFF80  }
0x1f: {  	[spmem:s19@s26], [sflag:s29] =	dma.strided @!p0 [hbm:s5@s28], $0x4F0, s0, $0x10   }
0x20: {  	s0 =	simm.s32 @!p0 $0x5  }
0x21: {  	_ =	swait.ge @!p0 [sflag:s0], $0x4F0  }
0x22: {  	p1 =	por $0x1, $0x1;
	s29 =	smul.u32 $0x29, s2;
	[sflag:s0] =	ssyncset.done @!p0 $0x0  }
0x23: {  	s31 =	simm.s32 $0x1;
	s30 =	sand.u32 @!p1 $0x3, s2;
	[sflag:s0] =	ssyncadd.s32 @!p0 $0xFFFFFB10  }
0x24: {  	s26 =	sadd.s32 @!p1 $0x1, s30;
	s15 =	sshrl.u32 s29, $0xA;
	[bflag:$0x0] =	sbarrier.arrive $0xFFFF  }
0x25: {  	s28 =	simm.s32 $0x0;
	s0 =	sand.u32 $0x3F, s15;
	_ =	swait.ge @!p1 [sflag:s26], $0x50  }
.LBB2_2:
0x26: {  	s0 =	smul.u32 $0x19, s0;
	s12 =	smov.u32 s29;
	s13 =	smov.u32 s26  }
0x27: {  	s14 =	smov.u32 s28;
	p2 =	por p1, p1;
	p1 =	slt.u32 s31, $0x4  }
0x28: {  	s28 =	smov.u32 s31;
	s29 =	smul.u32 $0x29, s31;
	s15 =	sand.u32 @!p1 $0x3, s31  }
0x29: {  	s30 =	smov.u32 @p2 s14;
	s12 =	sshll.u32 s12, $0x2;
	s31 =	sadd.s32 $0x1, s31  }
0x2a: {  	s26 =	sadd.s32 @!p1 $0x1, s15;
	s0 =	ssub.s32 s14, s0;
	s14 =	sshrl.u32 s29, $0xA  }
0x2b: {  	s12 =	sand.u32 $0x3F000, s12;
	p3 =	sne.s32 s31, $0x7D;
	s0 =	sand.u32 $0xFF, s0  }
.Ltmp0:
0x2c: {  	s30 =	sadd.s32 $0x1, s30;
	s0 =	sshll.u32 s0, $0x7;
	(pc) =	sbr.rel @p3 .LBB2_2-.Ltmp0, $4  }
0x2d: {  	[sflag:s13] =	ssyncset.done @!p2 $0x0;
	s0 =	sor.u32 s0, s12  }
0x2e: {  	[sflag:s13] =	ssyncadd.s32 @!p2 $0xFFFFFFB0;
	s0 =	sadd.s32 $0x278, s0  }
0x2f: {  	[spmem:s1] =	stream.indirect.scatter.add.f32 [tilespmem:s18], [sflag:s30], $0x1, s0, s20, $0xb8;
	[tilespmem:$0x52F8] =	vst v63  }
0x30: {  	s0 =	sand.u32 $0x3F, s14;
	s30 =	smov.u32 s15;
	_ =	swait.ge @!p1 [sflag:s26], $0x50  }
0x31: {  	s0 =	smul.u32 $0x19, s0;
	_ =	sdelay $0x1  }
0x32: {  	s0 =	ssub.s32 s28, s0  }
0x33: {  	s12 =	sshll.u32 s29, $0x2;
	s0 =	sand.u32 $0xFF, s0  }
0x34: {  	p1 =	por p1, p1;
	s12 =	sand.u32 $0x3F000, s12;
	s0 =	sshll.u32 s0, $0x7  }
0x35: {  	s30 =	smov.u32 @p1 s28;
	[sflag:s26] =	ssyncset.done @!p1 $0x0;
	s0 =	sor.u32 s0, s12  }
0x36: {  	s31 =	sadd.s32 $0x1, s30;
	[sflag:s26] =	ssyncadd.s32 @!p1 $0xFFFFFFB0;
	s0 =	sadd.s32 $0x278, s0  }
0x37: {  	[spmem:s1] =	stream.indirect.scatter.add.f32 [tilespmem:s18], [sflag:s31], $0x1, s0, s20, $0xb8;
	[tilespmem:$0x52F8] =	vst v63  }
0x38: {  	_ =	swait.ge [sflag:s21], $0x50  }
0x39: {  	[sflag:s21] =	ssyncset.done $0x0  }
0x3a: {  	[sflag:s21] =	ssyncadd.s32 $0xFFFFFFB0  }
0x3b: {  	_ =	swait.ge [sflag:s22], $0x50  }
0x3c: {  	[sflag:s22] =	ssyncset.done $0x0  }
0x3d: {  	[sflag:s22] =	ssyncadd.s32 $0xFFFFFFB0  }
0x3e: {  	_ =	swait.ge [sflag:s23], $0x50  }
0x3f: {  	[sflag:s23] =	ssyncset.done $0x0  }
0x40: {  	[sflag:s23] =	ssyncadd.s32 $0xFFFFFFB0  }
0x41: {  	_ =	swait.ge [sflag:s24], $0x50  }
0x42: {  	s13 =	simm.s32 @!p0 $0x10;
	s25 =	sadd.s32 $0x1, s25;
	[sflag:s24] =	ssyncset.done $0x0  }
0x43: {  	s14 =	simm.s32 @!p0 $0x1C05;
	p1 =	sne.s32 s25, s7;
	[sflag:s24] =	ssyncadd.s32 $0xFFFFFFB0  }
0x44: {  	s12 =	simm.s32 @!p0 $0x20;
	s0 =	simm.s32 @!p0 $0x1;
	[bflag:$0x0] =	sbarrier.arrive $0xFFFF  }
0x45: {  	[hbm:s6@s12], [sflag:s14] =	dma.strided @!p0 [spmem:s19@s13], $0x4F0, s0, $0x10   }
.Ltmp1:
0x46: {  	_ = 	snop;
	(pc) =	sbr.rel @p1 .LBB2_1-.Ltmp1, $4  }
0x47: {  	s0 =	simm.s32 @!p0 $0x5  }
0x48: {  	_ =	swait.ge @!p0 [sflag:s0], $0x4F0  }
0x49: {  	[sflag:s0] =	ssyncset.done @!p0 $0x0  }
0x4a: {  	[sflag:s0] =	ssyncadd.s32 @!p0 $0xFFFFFB10  }
0x4b: {  	_ =	sfence.sel $0x180000  }
0x4c: {  	[bflag:$0x0] =	sbarrier.arrive $0xFFFF  }
0x4d: {  	_ =	strace $0x90000047  }
0x4e: {  	[bflag:$0x2] =	sbarrier.arrive $0xFFFF  }
0x4f: {  	s0 =	rddreg [dreg:$0x3]  }
0x50: {  	s0 =	sadd.s32 @!p0 $0x100000, s0  }
0x51: {  	[sflag:s0] =	ssyncadd.tile.s32 @!p0 $0x1;
	_ =	shalt  }
.Lfunc_end2:
_tile_overlayer_lowered:
.L_overlay_start_2:
0x52: {  	(tag) =	ssettag $0x2  }
0x53: {  	s0 =	rddreg [dreg:$0x0];
	s2 =	stileid.u32  }
0x54: {  	s1 =	rddreg [dreg:$0x1];
	p0 =	sne.s32 s2, $0x0  }
0x55: {  	s3 =	rddreg [dreg:$0x2];
	[bflag:$0x3] =	sbarrier.arrive $0xFFFF;
	s2 =	simm.s32 @!p0 $0x1C05  }
0x56: {  	[timem:s3], [sflag:s2] =	dma.local @!p0 [hbm:s0], s1  }
0x57: {  	s0 =	simm.s32 @!p0 $0x5  }
0x58: {  	_ =	swait.ge @!p0 [sflag:s0], s1  }
0x59: {  	s1 =	ssub.s32 @!p0 $0x0, s1;
	[sflag:s0] =	ssyncset.done @!p0 $0x0  }
0x5a: {  	[sflag:s0] =	ssyncadd.s32 @!p0 s1  }
0x5b: {  	[bflag:$0x3] =	sbarrier.arrive $0xFFFF  }
0x5c: {  	_ =	shalt  }

</sc_bundles>
